<compile_context>
chip_gen: v7x
topology: tpu7x:2x2x1
jax: 0.10.2.dev20260603
libtpu: 0.0.44.dev20260713+nightly
codegen_flags: <defaults>
</compile_context>

<pallas_src>
import functools

import jax
import jax.numpy as jnp
from jax import lax
from jax.experimental import pallas as pl
from jax.experimental.pallas import tpu as pltpu
from jax.experimental.pallas import tpu_sc as plsc

_F = 100
_D = 64
_LANES = 16
_NWORKERS = 32
_CHUNK = 320
_NPAIR_PAD = _NWORKERS * _CHUNK


def _sc_pair_dots(vs2, fields_pad):
    groups = _CHUNK // _LANES
    mesh = plsc.VectorSubcoreMesh(core_axis_name="c", subcore_axis_name="s")

    @functools.partial(
        pl.kernel,
        mesh=mesh,
        compiler_params=pltpu.CompilerParams(
            needs_layout_passes=False, use_tc_tiling_on_sc=False),
        out_type=jax.ShapeDtypeStruct((_NPAIR_PAD,), jnp.float32),
        scratch_types=[
            pltpu.VMEM((128,), jnp.int32),
            pltpu.VMEM((3, 128), jnp.int32),
            pltpu.VMEM((3, 128), jnp.int32),
            pltpu.VMEM((3 * 128, _D), jnp.float32),
            pltpu.VMEM((3 * 128, _D), jnp.float32),
            pltpu.VMEM((_CHUNK,), jnp.float32),
            pltpu.VMEM((_LANES, 17), jnp.float32),
            pltpu.VMEM_SHARED((2600, _D), jnp.float32),
            pltpu.SemaphoreType.DMA,
            pltpu.SemaphoreType.DMA,
        ],
    )
    def k(vs2_hbm, fields_hbm, m_hbm, fields_v, ia_v, ib_v, ra_v, rb_v, m_v,
          t_v, vs2_sh, sem_a, sem_b):
        wid = lax.axis_index("s") * 2 + lax.axis_index("c")
        base = wid * _CHUNK
        @pl.when(lax.axis_index("s") == 0)
        def _():
            pltpu.sync_copy(vs2_hbm, vs2_sh)
        pltpu.sync_copy(fields_hbm, fields_v)
        lane = lax.iota(jnp.int32, _LANES)

        def fill(g, carry):
            p = jnp.minimum(base + g * _LANES + lane, _F * _F - 1)
            i = lax.div(p, jnp.int32(_F))
            j = p - i * _F
            fi = plsc.load_gather(fields_v, [i])
            fj = plsc.load_gather(fields_v, [j])
            row = lax.div(g, jnp.int32(8))
            col = lax.rem(g, jnp.int32(8)) * _LANES
            ia_v[row, pl.ds(col, _LANES)] = fi * _F + j
            ib_v[row, pl.ds(col, _LANES)] = fj * _F + i
            return carry

        with jax.named_scope("sc_fill"):
            lax.fori_loop(0, 24, fill, 0)

        plsc.subcore_barrier()
        with jax.named_scope("sc_gather"):
         for r in range(3):
            pltpu.async_copy(vs2_sh.at[ia_v.at[r]],
                             ra_v.at[pl.ds(r * 128, 128), :], sem_a)
            pltpu.async_copy(vs2_sh.at[ib_v.at[r]],
                             rb_v.at[pl.ds(r * 128, 128), :], sem_b)
         for r in range(3):
            pltpu.make_async_copy(vs2_hbm.at[pl.ds(0, 128)],
                                  ra_v.at[pl.ds(r * 128, 128), :],
                                  sem_a).wait()
            pltpu.make_async_copy(vs2_hbm.at[pl.ds(0, 128)],
                                  rb_v.at[pl.ds(r * 128, 128), :],
                                  sem_b).wait()

        def dots(g, carry):
            p0 = g * _LANES
            for r in range(_LANES):
                acc = jnp.zeros((_LANES,), jnp.float32)
                for c in range(_D // _LANES):
                    a = ra_v[p0 + r, pl.ds(c * _LANES, _LANES)]
                    bb = rb_v[p0 + r, pl.ds(c * _LANES, _LANES)]
                    acc = acc + a * bb
                t_v[r, pl.ds(0, _LANES)] = acc
            m = jnp.zeros((_LANES,), jnp.float32)
            for l in range(_LANES):
                m = m + plsc.load_gather(
                    t_v, [lane, jnp.full((_LANES,), l, jnp.int32)])
            m_v[pl.ds(p0, _LANES)] = m
            return carry

        with jax.named_scope("sc_dots"):
            lax.fori_loop(0, groups, dots, 0)
        pltpu.sync_copy(m_v, m_hbm.at[pl.ds(base, _CHUNK)])

    return k(vs2, fields_pad)


def _tc_stream(x, wcol):
    bsz, f = x.shape
    blk = 4096
    nblk = bsz // blk
    rows = blk // 128

    def body(x_hbm, wcol_ref, lin_ref, s_ref, buf, sems):
        step = pl.program_id(0)
        ii = lax.broadcasted_iota(jnp.int32, (128, 128), 0)
        jj = lax.broadcasted_iota(jnp.int32, (128, 128), 1)
        eye = jnp.where(ii == jj, 1.0, 0.0).astype(jnp.float32)
        slot = lax.rem(step, 2)
        nslot = lax.rem(step + 1, 2)

        @pl.when(step == 0)
        def _():
            s_ref[...] = jnp.zeros_like(s_ref)
            pltpu.make_async_copy(
                x_hbm.at[pl.ds(0, blk), :], buf.at[0], sems.at[0]).start()

        @pl.when(step + 1 < nblk)
        def _():
            pltpu.make_async_copy(
                x_hbm.at[pl.ds((step + 1) * blk, blk), :], buf.at[nslot],
                sems.at[nslot]).start()

        pltpu.make_async_copy(
            x_hbm.at[pl.ds(0, blk), :], buf.at[slot], sems.at[slot]).wait()
        xb = buf[slot]
        s_ref[...] += lax.dot_general(
            xb, xb, (((0,), (0,)), ((), ())),
            preferred_element_type=jnp.float32)
        lincol = lax.dot_general(
            xb, wcol_ref[...], (((1,), (0,)), ((), ())),
            preferred_element_type=jnp.float32)
        parts = [lax.slice(lincol, (q * 128, 0), ((q + 1) * 128, 1))
                 for q in range(rows)]
        lin_ref[...] = jnp.concatenate(
            [lax.dot_general(
                jnp.concatenate(parts[g * 8:(g + 1) * 8], axis=1),
                eye, (((0,), (0,)), ((), ())),
                preferred_element_type=jnp.float32)
             for g in range(rows // 8)], axis=0)

    return pl.pallas_call(
        body,
        grid=(nblk,),
        in_specs=[
            pl.BlockSpec(memory_space=pltpu.HBM),
            pl.BlockSpec((f, 1), lambda bi: (0, 0)),
        ],
        out_specs=[
            pl.BlockSpec((rows, 128), lambda bi: (bi, 0)),
            pl.BlockSpec((f, f), lambda bi: (0, 0)),
        ],
        out_shape=[
            jax.ShapeDtypeStruct((bsz // 128, 128), jnp.float32),
            jax.ShapeDtypeStruct((f, f), jnp.float32),
        ],
        scratch_shapes=[
            pltpu.VMEM((2, blk, f), jnp.float32),
            pltpu.SemaphoreType.DMA((2,)),
        ],
        compiler_params=pltpu.CompilerParams(
            fuse_transposed_lhs_in_matmul=True),
    )(pltpu.with_memory_space_constraint(x, pltpu.HBM), wcol)


def _tc_finish(lin2d, m, s, bias):

    def body(lin_ref, m_ref, s_ref, b_ref, o_ref):
        mm = m_ref[...]
        ss = s_ref[0:mm.shape[0], 0:mm.shape[1]]
        ii = lax.broadcasted_iota(jnp.int32, mm.shape, 0)
        jj = lax.broadcasted_iota(jnp.int32, mm.shape, 1)
        s2 = jnp.sum(jnp.where(jj > ii, mm * ss, 0.0))
        o_ref[...] = jax.nn.sigmoid(lin_ref[...] + (s2 + b_ref[0, 0]))

    return pl.pallas_call(
        body,
        out_shape=jax.ShapeDtypeStruct(lin2d.shape, jnp.float32),
    )(lin2d, m, s, bias)


def kernel(input, fields_dict, W, b, vs):
    fn, f, d = vs.shape
    bsz = input.shape[0]
    vs2 = vs.reshape(fn * f, d)
    fields_pad = jnp.zeros((128,), jnp.int32).at[:f].set(fields_dict)

    m_flat = _sc_pair_dots(vs2, fields_pad)
    m = m_flat[: f * f].reshape(f, f)

    x128 = input @ jnp.eye(f, 128, dtype=jnp.float32)
    w128 = jnp.concatenate(
        [W.reshape(f, 1), jnp.zeros((128 - f, 1), jnp.float32)], axis=0)
    lin2d, s = _tc_stream(x128, w128)
    out2d = _tc_finish(lin2d, m, s, b.reshape(1, 1))
    return out2d.reshape(bsz, 1)

# --- scband reference (transcript-rebuilt; emitter-appended) ---
"""Pipeline reference for scband-field-aware-fm-81621558493775 (READ-ONLY COPY).

The authoritative reference and input builder live on the scoring server;
editing this copy changes nothing except your own understanding.
"""

import jax, jax.numpy as jnp
import numpy as np

B, F, D, FN = 16384, 100, 64, 26

def setup_inputs(seed: int = 0) -> dict:
    key = jax.random.key(seed)
    k1, k2, k3, k4 = jax.random.split(key, 4)
    inp = jax.random.normal(k1, (B, F), dtype=jnp.float32)
    fields_dict = jax.random.randint(k2, (F,), 0, FN, dtype=jnp.int32)
    # nn.Linear(feats_dim, 1) params
    W = jax.random.uniform(k3, (1, F), dtype=jnp.float32, minval=-1.0/np.sqrt(F), maxval=1.0/np.sqrt(F))
    b = jnp.zeros((1,), dtype=jnp.float32)
    # xavier_normal_ on vs[fields_num, feats_dim, embed_dim]
    std = float(np.sqrt(2.0 / (F + D)))
    vs = jax.random.normal(k4, (FN, F, D), dtype=jnp.float32) * std
    return {"input": inp, "fields_dict": fields_dict, "W": W, "b": b, "vs": vs}

def reference(input, fields_dict, W, b, vs):
    # linear term: [B, 1]
    linear_comb = input @ W.T + b
    # gather per-feature field embeddings: A[j, i, :] = vs[fields_dict[j], i, :]
    A = jnp.take(vs, fields_dict, axis=0)  # [F, F, D]
    # M[i, j] = dot(vs[fields_dict[j], i, :], vs[fields_dict[i], j, :])
    M = jnp.einsum('jid,ijd->ij', A, A)  # [F, F]
    # S[i, j] = sum_b input[b, i] * input[b, j]
    S = input.T @ input  # [F, F]
    # second_order = sum_{i<j} M[i,j] * S[i,j]  (a scalar, summed over batch as in the torch loop)
    mask = jnp.triu(jnp.ones((F, F), dtype=input.dtype), k=1)
    second_order = jnp.sum(M * S * mask)
    return jax.nn.sigmoid(linear_comb + second_order)

if __name__ == "__main__":
    import jax
    _d = setup_inputs()
    print(jax.jit(kernel)(*tuple(_d.values())))

</pallas_src>

<mosaic_0001>
#map = affine_map<(d0, d1) -> (0, 0)>
#map1 = affine_map<(d0, d1) -> (0)>
module attributes {stable_mosaic.version = 14 : i64} {
  func.func @k(%arg0: i32, %arg1: i32, %arg2: memref<2600x64xf32, #tpu.memory_space<hbm>>, %arg3: memref<128xi32, #tpu.memory_space<hbm>>, %arg4: memref<10240xf32, #tpu.memory_space<hbm>>, %arg5: memref<128xi32, #tpu.memory_space<vmem>>, %arg6: memref<3x128xi32, #tpu.memory_space<vmem>>, %arg7: memref<3x128xi32, #tpu.memory_space<vmem>>, %arg8: memref<384x64xf32, #tpu.memory_space<vmem>>, %arg9: memref<384x64xf32, #tpu.memory_space<vmem>>, %arg10: memref<320xf32, #tpu.memory_space<vmem>>, %arg11: memref<16x17xf32, #tpu.memory_space<vmem>>, %arg12: memref<2600x64xf32, #tpu.memory_space<vmem_shared>>, %arg13: memref<!tpu.dma_semaphore, #tpu.memory_space<semaphore_mem>>, %arg14: memref<!tpu.dma_semaphore, #tpu.memory_space<semaphore_mem>>) attributes {dimension_semantics = [#tpu.dimension_semantics<core_parallel>, #tpu.dimension_semantics<subcore_parallel>], iteration_bounds = array<i64: 2, 16>, scalar_prefetch = 0 : i64, scratch_operands = 10 : i64, tpu.core_type = #tpu.core_type<sc_vector_subcore>, window_params = [{transform_indices = #map}, {transform_indices = #map1}, {transform_indices = #map1}]} {
    %mul3A = arith.constant 2 : i32
    %mul3A_0 = arith.muli %arg1, %mul3A : i32
    %add3A = arith.addi %mul3A_0, %arg0 : i32
    %mul3A_1 = arith.constant 320 : i32
    %mul3A_2 = arith.muli %add3A, %mul3A_1 : i32
    %eq3A = arith.constant 0 : i32
    %eq3A_3 = arith.cmpi eq, %arg1, %eq3A : i32
    %convert_element_type3A = arith.extui %eq3A_3 : i1 to i32
    %cond3A = arith.constant 0 : i32
    %cond3A_4 = arith.cmpi ne, %convert_element_type3A, %cond3A : i32
    scf.if %cond3A_4 {
      "tpu.region"() ({
        %run_scoped3A = tpu.sem_alloc : memref<!tpu.dma_semaphore, #tpu.memory_space<semaphore_mem>>
        tpu.enqueue_dma source(%arg2 : memref<2600x64xf32, #tpu.memory_space<hbm>>) target(%arg12 : memref<2600x64xf32, #tpu.memory_space<vmem_shared>>) target_semaphore(%run_scoped3A : memref<!tpu.dma_semaphore, #tpu.memory_space<semaphore_mem>>)
        tpu.wait_dma2 semaphore(%run_scoped3A : memref<!tpu.dma_semaphore, #tpu.memory_space<semaphore_mem>>) src(%arg2 : memref<2600x64xf32, #tpu.memory_space<hbm>>) dst(%arg12 : memref<2600x64xf32, #tpu.memory_space<vmem_shared>>)
        tpu.yield
      }) : () -> ()
    } else {
    }
    "tpu.region"() ({
      %run_scoped3A = tpu.sem_alloc : memref<!tpu.dma_semaphore, #tpu.memory_space<semaphore_mem>>
      tpu.enqueue_dma source(%arg3 : memref<128xi32, #tpu.memory_space<hbm>>) target(%arg5 : memref<128xi32, #tpu.memory_space<vmem>>) target_semaphore(%run_scoped3A : memref<!tpu.dma_semaphore, #tpu.memory_space<semaphore_mem>>)
      tpu.wait_dma2 semaphore(%run_scoped3A : memref<!tpu.dma_semaphore, #tpu.memory_space<semaphore_mem>>) src(%arg3 : memref<128xi32, #tpu.memory_space<hbm>>) dst(%arg5 : memref<128xi32, #tpu.memory_space<vmem>>)
      tpu.yield
    }) : () -> ()
    %iota3A = tpu.iota {dimensions = array<i32: 0>} : vector<16xi32>
    "tpu.trace_start"() <{level = 10 : i32, message = "sc_fill"}> : () -> ()
    %scan3A = arith.constant 0 : i32
    %scan3A_5 = arith.constant 0 : i32
    %scan3A_6 = arith.constant 24 : i32
    %scan3A_7 = arith.addi %scan3A_5, %scan3A_6 : i32
    %scan3A_8 = arith.constant 1 : i32
    scf.for %scan3A_146 = %scan3A_5 to %scan3A_7 step %scan3A_8  : i32 {
      %mul3A_147 = arith.constant 16 : i32
      %mul3A_148 = arith.muli %scan3A_146, %mul3A_147 : i32
      %add3A_149 = arith.addi %mul3A_2, %mul3A_148 : i32
      %add3A_150 = vector.broadcast %add3A_149 : i32 to vector<16xi32>
      %add3A_151 = arith.addi %add3A_150, %iota3A : vector<16xi32>
      %min3A = arith.constant 9999 : i32
      %min3A_152 = vector.broadcast %min3A : i32 to vector<16xi32>
      %min3A_153 = arith.minsi %add3A_151, %min3A_152 : vector<16xi32>
      %div3A = arith.constant 100 : i32
      %div3A_154 = vector.broadcast %div3A : i32 to vector<16xi32>
      %div3A_155 = arith.divsi %min3A_153, %div3A_154 : vector<16xi32>
      %mul3A_156 = arith.constant 100 : i32
      %mul3A_157 = vector.broadcast %mul3A_156 : i32 to vector<16xi32>
      %mul3A_158 = arith.muli %div3A_155, %mul3A_157 : vector<16xi32>
      %sub3A = arith.subi %min3A_153, %mul3A_158 : vector<16xi32>
      %gather3A = tpu.vector_load_idx %arg5[%div3A_155] : memref<128xi32, #tpu.memory_space<vmem>>[vector<16xi32>], vector<16xi32>,
      %gather3A_159 = tpu.vector_load_idx %arg5[%sub3A] : memref<128xi32, #tpu.memory_space<vmem>>[vector<16xi32>], vector<16xi32>,
      %div3A_160 = arith.constant 8 : i32
      %div3A_161 = arith.divsi %scan3A_146, %div3A_160 : i32
      %rem3A = arith.constant 8 : i32
      %rem3A_162 = arith.remsi %scan3A_146, %rem3A : i32
      %mul3A_163 = arith.constant 16 : i32
      %mul3A_164 = arith.muli %rem3A_162, %mul3A_163 : i32
      %mul3A_165 = arith.constant 100 : i32
      %mul3A_166 = vector.broadcast %mul3A_165 : i32 to vector<16xi32>
      %mul3A_167 = arith.muli %gather3A, %mul3A_166 : vector<16xi32>
      %add3A_168 = arith.addi %mul3A_167, %sub3A : vector<16xi32>
      %swap3A = arith.index_cast %div3A_161 : i32 to index
      %swap3A_169 = arith.index_cast %mul3A_164 : i32 to index
      %swap3A_170 = tpu.vector_load %arg6[%swap3A, %swap3A_169] {strides = array<i32>} : memref<3x128xi32, #tpu.memory_space<vmem>>, vector<16xi32>,
      tpu.vector_store %arg6[%swap3A, %swap3A_169], %add3A_168 {strides = array<i32>} : memref<3x128xi32, #tpu.memory_space<vmem>>, vector<16xi32>,
      %mul3A_171 = arith.constant 100 : i32
      %mul3A_172 = vector.broadcast %mul3A_171 : i32 to vector<16xi32>
      %mul3A_173 = arith.muli %gather3A_159, %mul3A_172 : vector<16xi32>
      %add3A_174 = arith.addi %mul3A_173, %div3A_155 : vector<16xi32>
      %swap3A_175 = arith.index_cast %div3A_161 : i32 to index
      %swap3A_176 = arith.index_cast %mul3A_164 : i32 to index
      %swap3A_177 = tpu.vector_load %arg7[%swap3A_175, %swap3A_176] {strides = array<i32>} : memref<3x128xi32, #tpu.memory_space<vmem>>, vector<16xi32>,
      tpu.vector_store %arg7[%swap3A_175, %swap3A_176], %add3A_174 {strides = array<i32>} : memref<3x128xi32, #tpu.memory_space<vmem>>, vector<16xi32>,
    }
    %scan3A_9 = arith.constant 24 : i32
    "tpu.trace_stop"() : () -> ()
    %barrier3A = arith.constant 0 : index
    tpu.barrier barrier_id(%barrier3A)
    %dma_start3A = arith.constant 0 : i32
    "tpu.trace_start"() <{level = 10 : i32, message = "sc_gather"}> : () -> ()
    %dma_start3A_10 = arith.constant 0 : i32
    %dma_start3A_11 = arith.constant 0 : i32
    %dma_start3A_12 = tpu.memref_slice %arg8[%dma_start3A_10, %dma_start3A_11] : memref<384x64xf32, #tpu.memory_space<vmem>> -> memref<128x64xf32, #tpu.memory_space<vmem>>
    %dma_start3A_13 = arith.constant 0 : i32
    %dma_start3A_14 = tpu.memref_slice %arg6[%dma_start3A, %dma_start3A_13] : memref<3x128xi32, #tpu.memory_space<vmem>> -> memref<1x128xi32, #tpu.memory_space<vmem>>
    %dma_start3A_15 = tpu.memref_squeeze %dma_start3A_14 : memref<1x128xi32, #tpu.memory_space<vmem>> -> memref<128xi32, #tpu.memory_space<vmem>>
    %dma_start3A_16 = arith.constant 0 : i32
    %dma_start3A_17 = arith.constant 0 : i32
    %dma_start3A_18 = tpu.memref_slice %arg12[%dma_start3A_16, %dma_start3A_17] : memref<2600x64xf32, #tpu.memory_space<vmem_shared>> -> memref<2600x64xf32, #tpu.memory_space<vmem_shared>>
    tpu.enqueue_indirect_dma source(%dma_start3A_18 : memref<2600x64xf32, #tpu.memory_space<vmem_shared>>) target(%dma_start3A_12 : memref<128x64xf32, #tpu.memory_space<vmem>>) offsets(%dma_start3A_15 : memref<128xi32, #tpu.memory_space<vmem>>) semaphore(%arg13 : memref<!tpu.dma_semaphore, #tpu.memory_space<semaphore_mem>>)
    %dma_start3A_19 = arith.constant 0 : i32
    %dma_start3A_20 = arith.constant 0 : i32
    %dma_start3A_21 = arith.constant 0 : i32
    %dma_start3A_22 = tpu.memref_slice %arg9[%dma_start3A_20, %dma_start3A_21] : memref<384x64xf32, #tpu.memory_space<vmem>> -> memref<128x64xf32, #tpu.memory_space<vmem>>
    %dma_start3A_23 = arith.constant 0 : i32
    %dma_start3A_24 = tpu.memref_slice %arg7[%dma_start3A_19, %dma_start3A_23] : memref<3x128xi32, #tpu.memory_space<vmem>> -> memref<1x128xi32, #tpu.memory_space<vmem>>
    %dma_start3A_25 = tpu.memref_squeeze %dma_start3A_24 : memref<1x128xi32, #tpu.memory_space<vmem>> -> memref<128xi32, #tpu.memory_space<vmem>>
    %dma_start3A_26 = arith.constant 0 : i32
    %dma_start3A_27 = arith.constant 0 : i32
    %dma_start3A_28 = tpu.memref_slice %arg12[%dma_start3A_26, %dma_start3A_27] : memref<2600x64xf32, #tpu.memory_space<vmem_shared>> -> memref<2600x64xf32, #tpu.memory_space<vmem_shared>>
    tpu.enqueue_indirect_dma source(%dma_start3A_28 : memref<2600x64xf32, #tpu.memory_space<vmem_shared>>) target(%dma_start3A_22 : memref<128x64xf32, #tpu.memory_space<vmem>>) offsets(%dma_start3A_25 : memref<128xi32, #tpu.memory_space<vmem>>) semaphore(%arg14 : memref<!tpu.dma_semaphore, #tpu.memory_space<semaphore_mem>>)
    %dma_start3A_29 = arith.constant 1 : i32
    %dma_start3A_30 = arith.constant 128 : i32
    %dma_start3A_31 = arith.constant 0 : i32
    %dma_start3A_32 = tpu.memref_slice %arg8[%dma_start3A_30, %dma_start3A_31] : memref<384x64xf32, #tpu.memory_space<vmem>> -> memref<128x64xf32, #tpu.memory_space<vmem>>
    %dma_start3A_33 = arith.constant 0 : i32
    %dma_start3A_34 = tpu.memref_slice %arg6[%dma_start3A_29, %dma_start3A_33] : memref<3x128xi32, #tpu.memory_space<vmem>> -> memref<1x128xi32, #tpu.memory_space<vmem>>
    %dma_start3A_35 = tpu.memref_squeeze %dma_start3A_34 : memref<1x128xi32, #tpu.memory_space<vmem>> -> memref<128xi32, #tpu.memory_space<vmem>>
    %dma_start3A_36 = arith.constant 0 : i32
    %dma_start3A_37 = arith.constant 0 : i32
    %dma_start3A_38 = tpu.memref_slice %arg12[%dma_start3A_36, %dma_start3A_37] : memref<2600x64xf32, #tpu.memory_space<vmem_shared>> -> memref<2600x64xf32, #tpu.memory_space<vmem_shared>>
    tpu.enqueue_indirect_dma source(%dma_start3A_38 : memref<2600x64xf32, #tpu.memory_space<vmem_shared>>) target(%dma_start3A_32 : memref<128x64xf32, #tpu.memory_space<vmem>>) offsets(%dma_start3A_35 : memref<128xi32, #tpu.memory_space<vmem>>) semaphore(%arg13 : memref<!tpu.dma_semaphore, #tpu.memory_space<semaphore_mem>>)
    %dma_start3A_39 = arith.constant 1 : i32
    %dma_start3A_40 = arith.constant 128 : i32
    %dma_start3A_41 = arith.constant 0 : i32
    %dma_start3A_42 = tpu.memref_slice %arg9[%dma_start3A_40, %dma_start3A_41] : memref<384x64xf32, #tpu.memory_space<vmem>> -> memref<128x64xf32, #tpu.memory_space<vmem>>
    %dma_start3A_43 = arith.constant 0 : i32
    %dma_start3A_44 = tpu.memref_slice %arg7[%dma_start3A_39, %dma_start3A_43] : memref<3x128xi32, #tpu.memory_space<vmem>> -> memref<1x128xi32, #tpu.memory_space<vmem>>
    %dma_start3A_45 = tpu.memref_squeeze %dma_start3A_44 : memref<1x128xi32, #tpu.memory_space<vmem>> -> memref<128xi32, #tpu.memory_space<vmem>>
    %dma_start3A_46 = arith.constant 0 : i32
    %dma_start3A_47 = arith.constant 0 : i32
    %dma_start3A_48 = tpu.memref_slice %arg12[%dma_start3A_46, %dma_start3A_47] : memref<2600x64xf32, #tpu.memory_space<vmem_shared>> -> memref<2600x64xf32, #tpu.memory_space<vmem_shared>>
    tpu.enqueue_indirect_dma source(%dma_start3A_48 : memref<2600x64xf32, #tpu.memory_space<vmem_shared>>) target(%dma_start3A_42 : memref<128x64xf32, #tpu.memory_space<vmem>>) offsets(%dma_start3A_45 : memref<128xi32, #tpu.memory_space<vmem>>) semaphore(%arg14 : memref<!tpu.dma_semaphore, #tpu.memory_space<semaphore_mem>>)
    %dma_start3A_49 = arith.constant 2 : i32
    %dma_start3A_50 = arith.constant 256 : i32
    %dma_start3A_51 = arith.constant 0 : i32
    %dma_start3A_52 = tpu.memref_slice %arg8[%dma_start3A_50, %dma_start3A_51] : memref<384x64xf32, #tpu.memory_space<vmem>> -> memref<128x64xf32, #tpu.memory_space<vmem>>
    %dma_start3A_53 = arith.constant 0 : i32
    %dma_start3A_54 = tpu.memref_slice %arg6[%dma_start3A_49, %dma_start3A_53] : memref<3x128xi32, #tpu.memory_space<vmem>> -> memref<1x128xi32, #tpu.memory_space<vmem>>
    %dma_start3A_55 = tpu.memref_squeeze %dma_start3A_54 : memref<1x128xi32, #tpu.memory_space<vmem>> -> memref<128xi32, #tpu.memory_space<vmem>>
    %dma_start3A_56 = arith.constant 0 : i32
    %dma_start3A_57 = arith.constant 0 : i32
    %dma_start3A_58 = tpu.memref_slice %arg12[%dma_start3A_56, %dma_start3A_57] : memref<2600x64xf32, #tpu.memory_space<vmem_shared>> -> memref<2600x64xf32, #tpu.memory_space<vmem_shared>>
    tpu.enqueue_indirect_dma source(%dma_start3A_58 : memref<2600x64xf32, #tpu.memory_space<vmem_shared>>) target(%dma_start3A_52 : memref<128x64xf32, #tpu.memory_space<vmem>>) offsets(%dma_start3A_55 : memref<128xi32, #tpu.memory_space<vmem>>) semaphore(%arg13 : memref<!tpu.dma_semaphore, #tpu.memory_space<semaphore_mem>>)
    %dma_start3A_59 = arith.constant 2 : i32
    %dma_start3A_60 = arith.constant 256 : i32
    %dma_start3A_61 = arith.constant 0 : i32
    %dma_start3A_62 = tpu.memref_slice %arg9[%dma_start3A_60, %dma_start3A_61] : memref<384x64xf32, #tpu.memory_space<vmem>> -> memref<128x64xf32, #tpu.memory_space<vmem>>
    %dma_start3A_63 = arith.constant 0 : i32
    %dma_start3A_64 = tpu.memref_slice %arg7[%dma_start3A_59, %dma_start3A_63] : memref<3x128xi32, #tpu.memory_space<vmem>> -> memref<1x128xi32, #tpu.memory_space<vmem>>
    %dma_start3A_65 = tpu.memref_squeeze %dma_start3A_64 : memref<1x128xi32, #tpu.memory_space<vmem>> -> memref<128xi32, #tpu.memory_space<vmem>>
    %dma_start3A_66 = arith.constant 0 : i32
    %dma_start3A_67 = arith.constant 0 : i32
    %dma_start3A_68 = tpu.memref_slice %arg12[%dma_start3A_66, %dma_start3A_67] : memref<2600x64xf32, #tpu.memory_space<vmem_shared>> -> memref<2600x64xf32, #tpu.memory_space<vmem_shared>>
    tpu.enqueue_indirect_dma source(%dma_start3A_68 : memref<2600x64xf32, #tpu.memory_space<vmem_shared>>) target(%dma_start3A_62 : memref<128x64xf32, #tpu.memory_space<vmem>>) offsets(%dma_start3A_65 : memref<128xi32, #tpu.memory_space<vmem>>) semaphore(%arg14 : memref<!tpu.dma_semaphore, #tpu.memory_space<semaphore_mem>>)
    %dma_wait3A = arith.constant 0 : i32
    %dma_wait3A_69 = arith.constant 0 : i32
    %dma_wait3A_70 = tpu.memref_slice %arg8[%dma_wait3A, %dma_wait3A_69] : memref<384x64xf32, #tpu.memory_space<vmem>> -> memref<128x64xf32, #tpu.memory_space<vmem>>
    %dma_wait3A_71 = arith.constant 0 : i32
    %dma_wait3A_72 = arith.constant 0 : i32
    %dma_wait3A_73 = tpu.memref_slice %arg2[%dma_wait3A_71, %dma_wait3A_72] : memref<2600x64xf32, #tpu.memory_space<hbm>> -> memref<128x64xf32, #tpu.memory_space<hbm>>
    %dma_wait3A_74 = arith.constant 0 : i32
    %dma_wait3A_75 = arith.constant 0 : i32
    %dma_wait3A_76 = tpu.memref_slice %arg8[%dma_wait3A_74, %dma_wait3A_75] : memref<384x64xf32, #tpu.memory_space<vmem>> -> memref<128x64xf32, #tpu.memory_space<vmem>>
    %dma_wait3A_77 = arith.constant 0 : i32
    %dma_wait3A_78 = arith.constant 0 : i32
    %dma_wait3A_79 = tpu.memref_slice %arg2[%dma_wait3A_77, %dma_wait3A_78] : memref<2600x64xf32, #tpu.memory_space<hbm>> -> memref<128x64xf32, #tpu.memory_space<hbm>>
    tpu.wait_dma2 semaphore(%arg13 : memref<!tpu.dma_semaphore, #tpu.memory_space<semaphore_mem>>) src(%dma_wait3A_79 : memref<128x64xf32, #tpu.memory_space<hbm>>) dst(%dma_wait3A_76 : memref<128x64xf32, #tpu.memory_space<vmem>>)
    %dma_wait3A_80 = arith.constant 0 : i32
    %dma_wait3A_81 = arith.constant 0 : i32
    %dma_wait3A_82 = tpu.memref_slice %arg9[%dma_wait3A_80, %dma_wait3A_81] : memref<384x64xf32, #tpu.memory_space<vmem>> -> memref<128x64xf32, #tpu.memory_space<vmem>>
    %dma_wait3A_83 = arith.constant 0 : i32
    %dma_wait3A_84 = arith.constant 0 : i32
    %dma_wait3A_85 = tpu.memref_slice %arg2[%dma_wait3A_83, %dma_wait3A_84] : memref<2600x64xf32, #tpu.memory_space<hbm>> -> memref<128x64xf32, #tpu.memory_space<hbm>>
    %dma_wait3A_86 = arith.constant 0 : i32
    %dma_wait3A_87 = arith.constant 0 : i32
    %dma_wait3A_88 = tpu.memref_slice %arg9[%dma_wait3A_86, %dma_wait3A_87] : memref<384x64xf32, #tpu.memory_space<vmem>> -> memref<128x64xf32, #tpu.memory_space<vmem>>
    %dma_wait3A_89 = arith.constant 0 : i32
    %dma_wait3A_90 = arith.constant 0 : i32
    %dma_wait3A_91 = tpu.memref_slice %arg2[%dma_wait3A_89, %dma_wait3A_90] : memref<2600x64xf32, #tpu.memory_space<hbm>> -> memref<128x64xf32, #tpu.memory_space<hbm>>
    tpu.wait_dma2 semaphore(%arg14 : memref<!tpu.dma_semaphore, #tpu.memory_space<semaphore_mem>>) src(%dma_wait3A_91 : memref<128x64xf32, #tpu.memory_space<hbm>>) dst(%dma_wait3A_88 : memref<128x64xf32, #tpu.memory_space<vmem>>)
    %dma_wait3A_92 = arith.constant 128 : i32
    %dma_wait3A_93 = arith.constant 0 : i32
    %dma_wait3A_94 = tpu.memref_slice %arg8[%dma_wait3A_92, %dma_wait3A_93] : memref<384x64xf32, #tpu.memory_space<vmem>> -> memref<128x64xf32, #tpu.memory_space<vmem>>
    %dma_wait3A_95 = arith.constant 0 : i32
    %dma_wait3A_96 = arith.constant 0 : i32
    %dma_wait3A_97 = tpu.memref_slice %arg2[%dma_wait3A_95, %dma_wait3A_96] : memref<2600x64xf32, #tpu.memory_space<hbm>> -> memref<128x64xf32, #tpu.memory_space<hbm>>
    %dma_wait3A_98 = arith.constant 128 : i32
    %dma_wait3A_99 = arith.constant 0 : i32
    %dma_wait3A_100 = tpu.memref_slice %arg8[%dma_wait3A_98, %dma_wait3A_99] : memref<384x64xf32, #tpu.memory_space<vmem>> -> memref<128x64xf32, #tpu.memory_space<vmem>>
    %dma_wait3A_101 = arith.constant 0 : i32
    %dma_wait3A_102 = arith.constant 0 : i32
    %dma_wait3A_103 = tpu.memref_slice %arg2[%dma_wait3A_101, %dma_wait3A_102] : memref<2600x64xf32, #tpu.memory_space<hbm>> -> memref<128x64xf32, #tpu.memory_space<hbm>>
    tpu.wait_dma2 semaphore(%arg13 : memref<!tpu.dma_semaphore, #tpu.memory_space<semaphore_mem>>) src(%dma_wait3A_103 : memref<128x64xf32, #tpu.memory_space<hbm>>) dst(%dma_wait3A_100 : memref<128x64xf32, #tpu.memory_space<vmem>>)
    %dma_wait3A_104 = arith.constant 128 : i32
    %dma_wait3A_105 = arith.constant 0 : i32
    %dma_wait3A_106 = tpu.memref_slice %arg9[%dma_wait3A_104, %dma_wait3A_105] : memref<384x64xf32, #tpu.memory_space<vmem>> -> memref<128x64xf32, #tpu.memory_space<vmem>>
    %dma_wait3A_107 = arith.constant 0 : i32
    %dma_wait3A_108 = arith.constant 0 : i32
    %dma_wait3A_109 = tpu.memref_slice %arg2[%dma_wait3A_107, %dma_wait3A_108] : memref<2600x64xf32, #tpu.memory_space<hbm>> -> memref<128x64xf32, #tpu.memory_space<hbm>>
    %dma_wait3A_110 = arith.constant 128 : i32
    %dma_wait3A_111 = arith.constant 0 : i32
    %dma_wait3A_112 = tpu.memref_slice %arg9[%dma_wait3A_110, %dma_wait3A_111] : memref<384x64xf32, #tpu.memory_space<vmem>> -> memref<128x64xf32, #tpu.memory_space<vmem>>
    %dma_wait3A_113 = arith.constant 0 : i32
    %dma_wait3A_114 = arith.constant 0 : i32
    %dma_wait3A_115 = tpu.memref_slice %arg2[%dma_wait3A_113, %dma_wait3A_114] : memref<2600x64xf32, #tpu.memory_space<hbm>> -> memref<128x64xf32, #tpu.memory_space<hbm>>
    tpu.wait_dma2 semaphore(%arg14 : memref<!tpu.dma_semaphore, #tpu.memory_space<semaphore_mem>>) src(%dma_wait3A_115 : memref<128x64xf32, #tpu.memory_space<hbm>>) dst(%dma_wait3A_112 : memref<128x64xf32, #tpu.memory_space<vmem>>)
    %dma_wait3A_116 = arith.constant 256 : i32
    %dma_wait3A_117 = arith.constant 0 : i32
    %dma_wait3A_118 = tpu.memref_slice %arg8[%dma_wait3A_116, %dma_wait3A_117] : memref<384x64xf32, #tpu.memory_space<vmem>> -> memref<128x64xf32, #tpu.memory_space<vmem>>
    %dma_wait3A_119 = arith.constant 0 : i32
    %dma_wait3A_120 = arith.constant 0 : i32
    %dma_wait3A_121 = tpu.memref_slice %arg2[%dma_wait3A_119, %dma_wait3A_120] : memref<2600x64xf32, #tpu.memory_space<hbm>> -> memref<128x64xf32, #tpu.memory_space<hbm>>
    %dma_wait3A_122 = arith.constant 256 : i32
    %dma_wait3A_123 = arith.constant 0 : i32
    %dma_wait3A_124 = tpu.memref_slice %arg8[%dma_wait3A_122, %dma_wait3A_123] : memref<384x64xf32, #tpu.memory_space<vmem>> -> memref<128x64xf32, #tpu.memory_space<vmem>>
    %dma_wait3A_125 = arith.constant 0 : i32
    %dma_wait3A_126 = arith.constant 0 : i32
    %dma_wait3A_127 = tpu.memref_slice %arg2[%dma_wait3A_125, %dma_wait3A_126] : memref<2600x64xf32, #tpu.memory_space<hbm>> -> memref<128x64xf32, #tpu.memory_space<hbm>>
    tpu.wait_dma2 semaphore(%arg13 : memref<!tpu.dma_semaphore, #tpu.memory_space<semaphore_mem>>) src(%dma_wait3A_127 : memref<128x64xf32, #tpu.memory_space<hbm>>) dst(%dma_wait3A_124 : memref<128x64xf32, #tpu.memory_space<vmem>>)
    %dma_wait3A_128 = arith.constant 256 : i32
    %dma_wait3A_129 = arith.constant 0 : i32
    %dma_wait3A_130 = tpu.memref_slice %arg9[%dma_wait3A_128, %dma_wait3A_129] : memref<384x64xf32, #tpu.memory_space<vmem>> -> memref<128x64xf32, #tpu.memory_space<vmem>>
    %dma_wait3A_131 = arith.constant 0 : i32
    %dma_wait3A_132 = arith.constant 0 : i32
    %dma_wait3A_133 = tpu.memref_slice %arg2[%dma_wait3A_131, %dma_wait3A_132] : memref<2600x64xf32, #tpu.memory_space<hbm>> -> memref<128x64xf32, #tpu.memory_space<hbm>>
    %dma_wait3A_134 = arith.constant 256 : i32
    %dma_wait3A_135 = arith.constant 0 : i32
    %dma_wait3A_136 = tpu.memref_slice %arg9[%dma_wait3A_134, %dma_wait3A_135] : memref<384x64xf32, #tpu.memory_space<vmem>> -> memref<128x64xf32, #tpu.memory_space<vmem>>
    %dma_wait3A_137 = arith.constant 0 : i32
    %dma_wait3A_138 = arith.constant 0 : i32
    %dma_wait3A_139 = tpu.memref_slice %arg2[%dma_wait3A_137, %dma_wait3A_138] : memref<2600x64xf32, #tpu.memory_space<hbm>> -> memref<128x64xf32, #tpu.memory_space<hbm>>
    tpu.wait_dma2 semaphore(%arg14 : memref<!tpu.dma_semaphore, #tpu.memory_space<semaphore_mem>>) src(%dma_wait3A_139 : memref<128x64xf32, #tpu.memory_space<hbm>>) dst(%dma_wait3A_136 : memref<128x64xf32, #tpu.memory_space<vmem>>)
    "tpu.trace_stop"() : () -> ()
    "tpu.trace_start"() <{level = 10 : i32, message = "sc_dots"}> : () -> ()
    %scan3A_140 = arith.constant 0 : i32
    %scan3A_141 = arith.constant 0 : i32
    %scan3A_142 = arith.constant 20 : i32
    %scan3A_143 = arith.addi %scan3A_141, %scan3A_142 : i32
    %scan3A_144 = arith.constant 1 : i32
    scf.for %scan3A_146 = %scan3A_141 to %scan3A_143 step %scan3A_144  : i32 {
      %mul3A_147 = arith.constant 16 : i32
      %mul3A_148 = arith.muli %scan3A_146, %mul3A_147 : i32
      %broadcast_in_dim3A = arith.constant 0.000000e+00 : f32
      %broadcast_in_dim3A_149 = vector.broadcast %broadcast_in_dim3A : f32 to vector<16xf32>
      %add3A_150 = arith.constant 0 : i32
      %add3A_151 = arith.addi %mul3A_148, %add3A_150 : i32
      %get3A = arith.index_cast %add3A_151 : i32 to index
      %get3A_152 = arith.constant 0 : index
      %get3A_153 = tpu.vector_load %arg8[%get3A, %get3A_152] {strides = array<i32>} : memref<384x64xf32, #tpu.memory_space<vmem>>, vector<16xf32>,
      %add3A_154 = arith.constant 0 : i32
      %add3A_155 = arith.addi %mul3A_148, %add3A_154 : i32
      %get3A_156 = arith.index_cast %add3A_155 : i32 to index
      %get3A_157 = arith.constant 0 : index
      %get3A_158 = tpu.vector_load %arg9[%get3A_156, %get3A_157] {strides = array<i32>} : memref<384x64xf32, #tpu.memory_space<vmem>>, vector<16xf32>,
      %mul3A_159 = arith.mulf %get3A_153, %get3A_158 : vector<16xf32>
      %add3A_160 = arith.addf %broadcast_in_dim3A_149, %mul3A_159 : vector<16xf32>
      %add3A_161 = arith.constant 0 : i32
      %add3A_162 = arith.addi %mul3A_148, %add3A_161 : i32
      %get3A_163 = arith.index_cast %add3A_162 : i32 to index
      %get3A_164 = arith.constant 16 : index
      %get3A_165 = tpu.vector_load %arg8[%get3A_163, %get3A_164] {strides = array<i32>} : memref<384x64xf32, #tpu.memory_space<vmem>>, vector<16xf32>,
      %add3A_166 = arith.constant 0 : i32
      %add3A_167 = arith.addi %mul3A_148, %add3A_166 : i32
      %get3A_168 = arith.index_cast %add3A_167 : i32 to index
      %get3A_169 = arith.constant 16 : index
      %get3A_170 = tpu.vector_load %arg9[%get3A_168, %get3A_169] {strides = array<i32>} : memref<384x64xf32, #tpu.memory_space<vmem>>, vector<16xf32>,
      %mul3A_171 = arith.mulf %get3A_165, %get3A_170 : vector<16xf32>
      %add3A_172 = arith.addf %add3A_160, %mul3A_171 : vector<16xf32>
      %add3A_173 = arith.constant 0 : i32
      %add3A_174 = arith.addi %mul3A_148, %add3A_173 : i32
      %get3A_175 = arith.index_cast %add3A_174 : i32 to index
      %get3A_176 = arith.constant 32 : index
      %get3A_177 = tpu.vector_load %arg8[%get3A_175, %get3A_176] {strides = array<i32>} : memref<384x64xf32, #tpu.memory_space<vmem>>, vector<16xf32>,
      %add3A_178 = arith.constant 0 : i32
      %add3A_179 = arith.addi %mul3A_148, %add3A_178 : i32
      %get3A_180 = arith.index_cast %add3A_179 : i32 to index
      %get3A_181 = arith.constant 32 : index
      %get3A_182 = tpu.vector_load %arg9[%get3A_180, %get3A_181] {strides = array<i32>} : memref<384x64xf32, #tpu.memory_space<vmem>>, vector<16xf32>,
      %mul3A_183 = arith.mulf %get3A_177, %get3A_182 : vector<16xf32>
      %add3A_184 = arith.addf %add3A_172, %mul3A_183 : vector<16xf32>
      %add3A_185 = arith.constant 0 : i32
      %add3A_186 = arith.addi %mul3A_148, %add3A_185 : i32
      %get3A_187 = arith.index_cast %add3A_186 : i32 to index
      %get3A_188 = arith.constant 48 : index
      %get3A_189 = tpu.vector_load %arg8[%get3A_187, %get3A_188] {strides = array<i32>} : memref<384x64xf32, #tpu.memory_space<vmem>>, vector<16xf32>,
      %add3A_190 = arith.constant 0 : i32
      %add3A_191 = arith.addi %mul3A_148, %add3A_190 : i32
      %get3A_192 = arith.index_cast %add3A_191 : i32 to index
      %get3A_193 = arith.constant 48 : index
      %get3A_194 = tpu.vector_load %arg9[%get3A_192, %get3A_193] {strides = array<i32>} : memref<384x64xf32, #tpu.memory_space<vmem>>, vector<16xf32>,
      %mul3A_195 = arith.mulf %get3A_189, %get3A_194 : vector<16xf32>
      %add3A_196 = arith.addf %add3A_184, %mul3A_195 : vector<16xf32>
      %swap3A = arith.constant 0 : i32
      %swap3A_197 = arith.index_cast %swap3A : i32 to index
      %swap3A_198 = arith.constant 0 : index
      %swap3A_199 = tpu.vector_load %arg11[%swap3A_197, %swap3A_198] {strides = array<i32>} : memref<16x17xf32, #tpu.memory_space<vmem>>, vector<16xf32>,
      tpu.vector_store %arg11[%swap3A_197, %swap3A_198], %add3A_196 {strides = array<i32>} : memref<16x17xf32, #tpu.memory_space<vmem>>, vector<16xf32>,
      %broadcast_in_dim3A_200 = arith.constant 0.000000e+00 : f32
      %broadcast_in_dim3A_201 = vector.broadcast %broadcast_in_dim3A_200 : f32 to vector<16xf32>
      %add3A_202 = arith.constant 1 : i32
      %add3A_203 = arith.addi %mul3A_148, %add3A_202 : i32
      %get3A_204 = arith.index_cast %add3A_203 : i32 to index
      %get3A_205 = arith.constant 0 : index
      %get3A_206 = tpu.vector_load %arg8[%get3A_204, %get3A_205] {strides = array<i32>} : memref<384x64xf32, #tpu.memory_space<vmem>>, vector<16xf32>,
      %add3A_207 = arith.constant 1 : i32
      %add3A_208 = arith.addi %mul3A_148, %add3A_207 : i32
      %get3A_209 = arith.index_cast %add3A_208 : i32 to index
      %get3A_210 = arith.constant 0 : index
      %get3A_211 = tpu.vector_load %arg9[%get3A_209, %get3A_210] {strides = array<i32>} : memref<384x64xf32, #tpu.memory_space<vmem>>, vector<16xf32>,
      %mul3A_212 = arith.mulf %get3A_206, %get3A_211 : vector<16xf32>
      %add3A_213 = arith.addf %broadcast_in_dim3A_201, %mul3A_212 : vector<16xf32>
      %add3A_214 = arith.constant 1 : i32
      %add3A_215 = arith.addi %mul3A_148, %add3A_214 : i32
      %get3A_216 = arith.index_cast %add3A_215 : i32 to index
      %get3A_217 = arith.constant 16 : index
      %get3A_218 = tpu.vector_load %arg8[%get3A_216, %get3A_217] {strides = array<i32>} : memref<384x64xf32, #tpu.memory_space<vmem>>, vector<16xf32>,
      %add3A_219 = arith.constant 1 : i32
      %add3A_220 = arith.addi %mul3A_148, %add3A_219 : i32
      %get3A_221 = arith.index_cast %add3A_220 : i32 to index
      %get3A_222 = arith.constant 16 : index
      %get3A_223 = tpu.vector_load %arg9[%get3A_221, %get3A_222] {strides = array<i32>} : memref<384x64xf32, #tpu.memory_space<vmem>>, vector<16xf32>,
      %mul3A_224 = arith.mulf %get3A_218, %get3A_223 : vector<16xf32>
      %add3A_225 = arith.addf %add3A_213, %mul3A_224 : vector<16xf32>
      %add3A_226 = arith.constant 1 : i32
      %add3A_227 = arith.addi %mul3A_148, %add3A_226 : i32
      %get3A_228 = arith.index_cast %add3A_227 : i32 to index
      %get3A_229 = arith.constant 32 : index
      %get3A_230 = tpu.vector_load %arg8[%get3A_228, %get3A_229] {strides = array<i32>} : memref<384x64xf32, #tpu.memory_space<vmem>>, vector<16xf32>,
      %add3A_231 = arith.constant 1 : i32
      %add3A_232 = arith.addi %mul3A_148, %add3A_231 : i32
      %get3A_233 = arith.index_cast %add3A_232 : i32 to index
      %get3A_234 = arith.constant 32 : index
      %get3A_235 = tpu.vector_load %arg9[%get3A_233, %get3A_234] {strides = array<i32>} : memref<384x64xf32, #tpu.memory_space<vmem>>, vector<16xf32>,
      %mul3A_236 = arith.mulf %get3A_230, %get3A_235 : vector<16xf32>
      %add3A_237 = arith.addf %add3A_225, %mul3A_236 : vector<16xf32>
      %add3A_238 = arith.constant 1 : i32
      %add3A_239 = arith.addi %mul3A_148, %add3A_238 : i32
      %get3A_240 = arith.index_cast %add3A_239 : i32 to index
      %get3A_241 = arith.constant 48 : index
      %get3A_242 = tpu.vector_load %arg8[%get3A_240, %get3A_241] {strides = array<i32>} : memref<384x64xf32, #tpu.memory_space<vmem>>, vector<16xf32>,
      %add3A_243 = arith.constant 1 : i32
      %add3A_244 = arith.addi %mul3A_148, %add3A_243 : i32
      %get3A_245 = arith.index_cast %add3A_244 : i32 to index
      %get3A_246 = arith.constant 48 : index
      %get3A_247 = tpu.vector_load %arg9[%get3A_245, %get3A_246] {strides = array<i32>} : memref<384x64xf32, #tpu.memory_space<vmem>>, vector<16xf32>,
      %mul3A_248 = arith.mulf %get3A_242, %get3A_247 : vector<16xf32>
      %add3A_249 = arith.addf %add3A_237, %mul3A_248 : vector<16xf32>
      %swap3A_250 = arith.constant 1 : i32
      %swap3A_251 = arith.index_cast %swap3A_250 : i32 to index
      %swap3A_252 = arith.constant 0 : index
      %swap3A_253 = tpu.vector_load %arg11[%swap3A_251, %swap3A_252] {strides = array<i32>} : memref<16x17xf32, #tpu.memory_space<vmem>>, vector<16xf32>,
      tpu.vector_store %arg11[%swap3A_251, %swap3A_252], %add3A_249 {strides = array<i32>} : memref<16x17xf32, #tpu.memory_space<vmem>>, vector<16xf32>,
      %broadcast_in_dim3A_254 = arith.constant 0.000000e+00 : f32
      %broadcast_in_dim3A_255 = vector.broadcast %broadcast_in_dim3A_254 : f32 to vector<16xf32>
      %add3A_256 = arith.constant 2 : i32
      %add3A_257 = arith.addi %mul3A_148, %add3A_256 : i32
      %get3A_258 = arith.index_cast %add3A_257 : i32 to index
      %get3A_259 = arith.constant 0 : index
      %get3A_260 = tpu.vector_load %arg8[%get3A_258, %get3A_259] {strides = array<i32>} : memref<384x64xf32, #tpu.memory_space<vmem>>, vector<16xf32>,
      %add3A_261 = arith.constant 2 : i32
      %add3A_262 = arith.addi %mul3A_148, %add3A_261 : i32
      %get3A_263 = arith.index_cast %add3A_262 : i32 to index
      %get3A_264 = arith.constant 0 : index
      %get3A_265 = tpu.vector_load %arg9[%get3A_263, %get3A_264] {strides = array<i32>} : memref<384x64xf32, #tpu.memory_space<vmem>>, vector<16xf32>,
      %mul3A_266 = arith.mulf %get3A_260, %get3A_265 : vector<16xf32>
      %add3A_267 = arith.addf %broadcast_in_dim3A_255, %mul3A_266 : vector<16xf32>
      %add3A_268 = arith.constant 2 : i32
      %add3A_269 = arith.addi %mul3A_148, %add3A_268 : i32
      %get3A_270 = arith.index_cast %add3A_269 : i32 to index
      %get3A_271 = arith.constant 16 : index
      %get3A_272 = tpu.vector_load %arg8[%get3A_270, %get3A_271] {strides = array<i32>} : memref<384x64xf32, #tpu.memory_space<vmem>>, vector<16xf32>,
      %add3A_273 = arith.constant 2 : i32
      %add3A_274 = arith.addi %mul3A_148, %add3A_273 : i32
      %get3A_275 = arith.index_cast %add3A_274 : i32 to index
      %get3A_276 = arith.constant 16 : index
      %get3A_277 = tpu.vector_load %arg9[%get3A_275, %get3A_276] {strides = array<i32>} : memref<384x64xf32, #tpu.memory_space<vmem>>, vector<16xf32>,
      %mul3A_278 = arith.mulf %get3A_272, %get3A_277 : vector<16xf32>
      %add3A_279 = arith.addf %add3A_267, %mul3A_278 : vector<16xf32>
      %add3A_280 = arith.constant 2 : i32
      %add3A_281 = arith.addi %mul3A_148, %add3A_280 : i32
      %get3A_282 = arith.index_cast %add3A_281 : i32 to index
      %get3A_283 = arith.constant 32 : index
      %get3A_284 = tpu.vector_load %arg8[%get3A_282, %get3A_283] {strides = array<i32>} : memref<384x64xf32, #tpu.memory_space<vmem>>, vector<16xf32>,
      %add3A_285 = arith.constant 2 : i32
      %add3A_286 = arith.addi %mul3A_148, %add3A_285 : i32
      %get3A_287 = arith.index_cast %add3A_286 : i32 to index
      %get3A_288 = arith.constant 32 : index
      %get3A_289 = tpu.vector_load %arg9[%get3A_287, %get3A_288] {strides = array<i32>} : memref<384x64xf32, #tpu.memory_space<vmem>>, vector<16xf32>,
      %mul3A_290 = arith.mulf %get3A_284, %get3A_289 : vector<16xf32>
      %add3A_291 = arith.addf %add3A_279, %mul3A_290 : vector<16xf32>
      %add3A_292 = arith.constant 2 : i32
      %add3A_293 = arith.addi %mul3A_148, %add3A_292 : i32
      %get3A_294 = arith.index_cast %add3A_293 : i32 to index
      %get3A_295 = arith.constant 48 : index
      %get3A_296 = tpu.vector_load %arg8[%get3A_294, %get3A_295] {strides = array<i32>} : memref<384x64xf32, #tpu.memory_space<vmem>>, vector<16xf32>,
      %add3A_297 = arith.constant 2 : i32
      %add3A_298 = arith.addi %mul3A_148, %add3A_297 : i32
      %get3A_299 = arith.index_cast %add3A_298 : i32 to index
      %get3A_300 = arith.constant 48 : index
      %get3A_301 = tpu.vector_load %arg9[%get3A_299, %get3A_300] {strides = array<i32>} : memref<384x64xf32, #tpu.memory_space<vmem>>, vector<16xf32>,
      %mul3A_302 = arith.mulf %get3A_296, %get3A_301 : vector<16xf32>
      %add3A_303 = arith.addf %add3A_291, %mul3A_302 : vector<16xf32>
      %swap3A_304 = arith.constant 2 : i32
      %swap3A_305 = arith.index_cast %swap3A_304 : i32 to index
      %swap3A_306 = arith.constant 0 : index
      %swap3A_307 = tpu.vector_load %arg11[%swap3A_305, %swap3A_306] {strides = array<i32>} : memref<16x17xf32, #tpu.memory_space<vmem>>, vector<16xf32>,
      tpu.vector_store %arg11[%swap3A_305, %swap3A_306], %add3A_303 {strides = array<i32>} : memref<16x17xf32, #tpu.memory_space<vmem>>, vector<16xf32>,
      %broadcast_in_dim3A_308 = arith.constant 0.000000e+00 : f32
      %broadcast_in_dim3A_309 = vector.broadcast %broadcast_in_dim3A_308 : f32 to vector<16xf32>
      %add3A_310 = arith.constant 3 : i32
      %add3A_311 = arith.addi %mul3A_148, %add3A_310 : i32
      %get3A_312 = arith.index_cast %add3A_311 : i32 to index
      %get3A_313 = arith.constant 0 : index
      %get3A_314 = tpu.vector_load %arg8[%get3A_312, %get3A_313] {strides = array<i32>} : memref<384x64xf32, #tpu.memory_space<vmem>>, vector<16xf32>,
      %add3A_315 = arith.constant 3 : i32
      %add3A_316 = arith.addi %mul3A_148, %add3A_315 : i32
      %get3A_317 = arith.index_cast %add3A_316 : i32 to index
      %get3A_318 = arith.constant 0 : index
      %get3A_319 = tpu.vector_load %arg9[%get3A_317, %get3A_318] {strides = array<i32>} : memref<384x64xf32, #tpu.memory_space<vmem>>, vector<16xf32>,
      %mul3A_320 = arith.mulf %get3A_314, %get3A_319 : vector<16xf32>
      %add3A_321 = arith.addf %broadcast_in_dim3A_309, %mul3A_320 : vector<16xf32>
      %add3A_322 = arith.constant 3 : i32
      %add3A_323 = arith.addi %mul3A_148, %add3A_322 : i32
      %get3A_324 = arith.index_cast %add3A_323 : i32 to index
      %get3A_325 = arith.constant 16 : index
      %get3A_326 = tpu.vector_load %arg8[%get3A_324, %get3A_325] {strides = array<i32>} : memref<384x64xf32, #tpu.memory_space<vmem>>, vector<16xf32>,
      %add3A_327 = arith.constant 3 : i32
      %add3A_328 = arith.addi %mul3A_148, %add3A_327 : i32
      %get3A_329 = arith.index_cast %add3A_328 : i32 to index
      %get3A_330 = arith.constant 16 : index
      %get3A_331 = tpu.vector_load %arg9[%get3A_329, %get3A_330] {strides = array<i32>} : memref<384x64xf32, #tpu.memory_space<vmem>>, vector<16xf32>,
      %mul3A_332 = arith.mulf %get3A_326, %get3A_331 : vector<16xf32>
      %add3A_333 = arith.addf %add3A_321, %mul3A_332 : vector<16xf32>
      %add3A_334 = arith.constant 3 : i32
      %add3A_335 = arith.addi %mul3A_148, %add3A_334 : i32
      %get3A_336 = arith.index_cast %add3A_335 : i32 to index
      %get3A_337 = arith.constant 32 : index
      %get3A_338 = tpu.vector_load %arg8[%get3A_336, %get3A_337] {strides = array<i32>} : memref<384x64xf32, #tpu.memory_space<vmem>>, vector<16xf32>,
      %add3A_339 = arith.constant 3 : i32
      %add3A_340 = arith.addi %mul3A_148, %add3A_339 : i32
      %get3A_341 = arith.index_cast %add3A_340 : i32 to index
      %get3A_342 = arith.constant 32 : index
      %get3A_343 = tpu.vector_load %arg9[%get3A_341, %get3A_342] {strides = array<i32>} : memref<384x64xf32, #tpu.memory_space<vmem>>, vector<16xf32>,
      %mul3A_344 = arith.mulf %get3A_338, %get3A_343 : vector<16xf32>
      %add3A_345 = arith.addf %add3A_333, %mul3A_344 : vector<16xf32>
      %add3A_346 = arith.constant 3 : i32
      %add3A_347 = arith.addi %mul3A_148, %add3A_346 : i32
      %get3A_348 = arith.index_cast %add3A_347 : i32 to index
      %get3A_349 = arith.constant 48 : index
      %get3A_350 = tpu.vector_load %arg8[%get3A_348, %get3A_349] {strides = array<i32>} : memref<384x64xf32, #tpu.memory_space<vmem>>, vector<16xf32>,
      %add3A_351 = arith.constant 3 : i32
      %add3A_352 = arith.addi %mul3A_148, %add3A_351 : i32
      %get3A_353 = arith.index_cast %add3A_352 : i32 to index
      %get3A_354 = arith.constant 48 : index
      %get3A_355 = tpu.vector_load %arg9[%get3A_353, %get3A_354] {strides = array<i32>} : memref<384x64xf32, #tpu.memory_space<vmem>>, vector<16xf32>,
      %mul3A_356 = arith.mulf %get3A_350, %get3A_355 : vector<16xf32>
      %add3A_357 = arith.addf %add3A_345, %mul3A_356 : vector<16xf32>
      %swap3A_358 = arith.constant 3 : i32
      %swap3A_359 = arith.index_cast %swap3A_358 : i32 to index
      %swap3A_360 = arith.constant 0 : index
      %swap3A_361 = tpu.vector_load %arg11[%swap3A_359, %swap3A_360] {strides = array<i32>} : memref<16x17xf32, #tpu.memory_space<vmem>>, vector<16xf32>,
      tpu.vector_store %arg11[%swap3A_359, %swap3A_360], %add3A_357 {strides = array<i32>} : memref<16x17xf32, #tpu.memory_space<vmem>>, vector<16xf32>,
      %broadcast_in_dim3A_362 = arith.constant 0.000000e+00 : f32
      %broadcast_in_dim3A_363 = vector.broadcast %broadcast_in_dim3A_362 : f32 to vector<16xf32>
      %add3A_364 = arith.constant 4 : i32
      %add3A_365 = arith.addi %mul3A_148, %add3A_364 : i32
      %get3A_366 = arith.index_cast %add3A_365 : i32 to index
      %get3A_367 = arith.constant 0 : index
      %get3A_368 = tpu.vector_load %arg8[%get3A_366, %get3A_367] {strides = array<i32>} : memref<384x64xf32, #tpu.memory_space<vmem>>, vector<16xf32>,
      %add3A_369 = arith.constant 4 : i32
      %add3A_370 = arith.addi %mul3A_148, %add3A_369 : i32
      %get3A_371 = arith.index_cast %add3A_370 : i32 to index
      %get3A_372 = arith.constant 0 : index
      %get3A_373 = tpu.vector_load %arg9[%get3A_371, %get3A_372] {strides = array<i32>} : memref<384x64xf32, #tpu.memory_space<vmem>>, vector<16xf32>,
      %mul3A_374 = arith.mulf %get3A_368, %get3A_373 : vector<16xf32>
      %add3A_375 = arith.addf %broadcast_in_dim3A_363, %mul3A_374 : vector<16xf32>
      %add3A_376 = arith.constant 4 : i32
      %add3A_377 = arith.addi %mul3A_148, %add3A_376 : i32
      %get3A_378 = arith.index_cast %add3A_377 : i32 to index
      %get3A_379 = arith.constant 16 : index
      %get3A_380 = tpu.vector_load %arg8[%get3A_378, %get3A_379] {strides = array<i32>} : memref<384x64xf32, #tpu.memory_space<vmem>>, vector<16xf32>,
      %add3A_381 = arith.constant 4 : i32
      %add3A_382 = arith.addi %mul3A_148, %add3A_381 : i32
      %get3A_383 = arith.index_cast %add3A_382 : i32 to index
      %get3A_384 = arith.constant 16 : index
      %get3A_385 = tpu.vector_load %arg9[%get3A_383, %get3A_384] {strides = array<i32>} : memref<384x64xf32, #tpu.memory_space<vmem>>, vector<16xf32>,
      %mul3A_386 = arith.mulf %get3A_380, %get3A_385 : vector<16xf32>
      %add3A_387 = arith.addf %add3A_375, %mul3A_386 : vector<16xf32>
      %add3A_388 = arith.constant 4 : i32
      %add3A_389 = arith.addi %mul3A_148, %add3A_388 : i32
      %get3A_390 = arith.index_cast %add3A_389 : i32 to index
      %get3A_391 = arith.constant 32 : index
      %get3A_392 = tpu.vector_load %arg8[%get3A_390, %get3A_391] {strides = array<i32>} : memref<384x64xf32, #tpu.memory_space<vmem>>, vector<16xf32>,
      %add3A_393 = arith.constant 4 : i32
      %add3A_394 = arith.addi %mul3A_148, %add3A_393 : i32
      %get3A_395 = arith.index_cast %add3A_394 : i32 to index
      %get3A_396 = arith.constant 32 : index
      %get3A_397 = tpu.vector_load %arg9[%get3A_395, %get3A_396] {strides = array<i32>} : memref<384x64xf32, #tpu.memory_space<vmem>>, vector<16xf32>,
      %mul3A_398 = arith.mulf %get3A_392, %get3A_397 : vector<16xf32>
      %add3A_399 = arith.addf %add3A_387, %mul3A_398 : vector<16xf32>
      %add3A_400 = arith.constant 4 : i32
      %add3A_401 = arith.addi %mul3A_148, %add3A_400 : i32
      %get3A_402 = arith.index_cast %add3A_401 : i32 to index
      %get3A_403 = arith.constant 48 : index
      %get3A_404 = tpu.vector_load %arg8[%get3A_402, %get3A_403] {strides = array<i32>} : memref<384x64xf32, #tpu.memory_space<vmem>>, vector<16xf32>,
      %add3A_405 = arith.constant 4 : i32
      %add3A_406 = arith.addi %mul3A_148, %add3A_405 : i32
      %get3A_407 = arith.index_cast %add3A_406 : i32 to index
      %get3A_408 = arith.constant 48 : index
      %get3A_409 = tpu.vector_load %arg9[%get3A_407, %get3A_408] {strides = array<i32>} : memref<384x64xf32, #tpu.memory_space<vmem>>, vector<16xf32>,
      %mul3A_410 = arith.mulf %get3A_404, %get3A_409 : vector<16xf32>
      %add3A_411 = arith.addf %add3A_399, %mul3A_410 : vector<16xf32>
      %swap3A_412 = arith.constant 4 : i32
      %swap3A_413 = arith.index_cast %swap3A_412 : i32 to index
      %swap3A_414 = arith.constant 0 : index
      %swap3A_415 = tpu.vector_load %arg11[%swap3A_413, %swap3A_414] {strides = array<i32>} : memref<16x17xf32, #tpu.memory_space<vmem>>, vector<16xf32>,
      tpu.vector_store %arg11[%swap3A_413, %swap3A_414], %add3A_411 {strides = array<i32>} : memref<16x17xf32, #tpu.memory_space<vmem>>, vector<16xf32>,
      %broadcast_in_dim3A_416 = arith.constant 0.000000e+00 : f32
      %broadcast_in_dim3A_417 = vector.broadcast %broadcast_in_dim3A_416 : f32 to vector<16xf32>
      %add3A_418 = arith.constant 5 : i32
      %add3A_419 = arith.addi %mul3A_148, %add3A_418 : i32
      %get3A_420 = arith.index_cast %add3A_419 : i32 to index
      %get3A_421 = arith.constant 0 : index
      %get3A_422 = tpu.vector_load %arg8[%get3A_420, %get3A_421] {strides = array<i32>} : memref<384x64xf32, #tpu.memory_space<vmem>>, vector<16xf32>,
      %add3A_423 = arith.constant 5 : i32
      %add3A_424 = arith.addi %mul3A_148, %add3A_423 : i32
      %get3A_425 = arith.index_cast %add3A_424 : i32 to index
      %get3A_426 = arith.constant 0 : index
      %get3A_427 = tpu.vector_load %arg9[%get3A_425, %get3A_426] {strides = array<i32>} : memref<384x64xf32, #tpu.memory_space<vmem>>, vector<16xf32>,
      %mul3A_428 = arith.mulf %get3A_422, %get3A_427 : vector<16xf32>
      %add3A_429 = arith.addf %broadcast_in_dim3A_417, %mul3A_428 : vector<16xf32>
      %add3A_430 = arith.constant 5 : i32
      %add3A_431 = arith.addi %mul3A_148, %add3A_430 : i32
      %get3A_432 = arith.index_cast %add3A_431 : i32 to index
      %get3A_433 = arith.constant 16 : index
      %get3A_434 = tpu.vector_load %arg8[%get3A_432, %get3A_433] {strides = array<i32>} : memref<384x64xf32, #tpu.memory_space<vmem>>, vector<16xf32>,
      %add3A_435 = arith.constant 5 : i32
      %add3A_436 = arith.addi %mul3A_148, %add3A_435 : i32
      %get3A_437 = arith.index_cast %add3A_436 : i32 to index
      %get3A_438 = arith.constant 16 : index
      %get3A_439 = tpu.vector_load %arg9[%get3A_437, %get3A_438] {strides = array<i32>} : memref<384x64xf32, #tpu.memory_space<vmem>>, vector<16xf32>,
      %mul3A_440 = arith.mulf %get3A_434, %get3A_439 : vector<16xf32>
      %add3A_441 = arith.addf %add3A_429, %mul3A_440 : vector<16xf32>
      %add3A_442 = arith.constant 5 : i32
      %add3A_443 = arith.addi %mul3A_148, %add3A_442 : i32
      %get3A_444 = arith.index_cast %add3A_443 : i32 to index
      %get3A_445 = arith.constant 32 : index
      %get3A_446 = tpu.vector_load %arg8[%get3A_444, %get3A_445] {strides = array<i32>} : memref<384x64xf32, #tpu.memory_space<vmem>>, vector<16xf32>,
      %add3A_447 = arith.constant 5 : i32
      %add3A_448 = arith.addi %mul3A_148, %add3A_447 : i32
      %get3A_449 = arith.index_cast %add3A_448 : i32 to index
      %get3A_450 = arith.constant 32 : index
      %get3A_451 = tpu.vector_load %arg9[%get3A_449, %get3A_450] {strides = array<i32>} : memref<384x64xf32, #tpu.memory_space<vmem>>, vector<16xf32>,
      %mul3A_452 = arith.mulf %get3A_446, %get3A_451 : vector<16xf32>
      %add3A_453 = arith.addf %add3A_441, %mul3A_452 : vector<16xf32>
      %add3A_454 = arith.constant 5 : i32
      %add3A_455 = arith.addi %mul3A_148, %add3A_454 : i32
      %get3A_456 = arith.index_cast %add3A_455 : i32 to index
      %get3A_457 = arith.constant 48 : index
      %get3A_458 = tpu.vector_load %arg8[%get3A_456, %get3A_457] {strides = array<i32>} : memref<384x64xf32, #tpu.memory_space<vmem>>, vector<16xf32>,
      %add3A_459 = arith.constant 5 : i32
      %add3A_460 = arith.addi %mul3A_148, %add3A_459 : i32
      %get3A_461 = arith.index_cast %add3A_460 : i32 to index
      %get3A_462 = arith.constant 48 : index
      %get3A_463 = tpu.vector_load %arg9[%get3A_461, %get3A_462] {strides = array<i32>} : memref<384x64xf32, #tpu.memory_space<vmem>>, vector<16xf32>,
      %mul3A_464 = arith.mulf %get3A_458, %get3A_463 : vector<16xf32>
      %add3A_465 = arith.addf %add3A_453, %mul3A_464 : vector<16xf32>
      %swap3A_466 = arith.constant 5 : i32
      %swap3A_467 = arith.index_cast %swap3A_466 : i32 to index
      %swap3A_468 = arith.constant 0 : index
      %swap3A_469 = tpu.vector_load %arg11[%swap3A_467, %swap3A_468] {strides = array<i32>} : memref<16x17xf32, #tpu.memory_space<vmem>>, vector<16xf32>,
      tpu.vector_store %arg11[%swap3A_467, %swap3A_468], %add3A_465 {strides = array<i32>} : memref<16x17xf32, #tpu.memory_space<vmem>>, vector<16xf32>,
      %broadcast_in_dim3A_470 = arith.constant 0.000000e+00 : f32
      %broadcast_in_dim3A_471 = vector.broadcast %broadcast_in_dim3A_470 : f32 to vector<16xf32>
      %add3A_472 = arith.constant 6 : i32
      %add3A_473 = arith.addi %mul3A_148, %add3A_472 : i32
      %get3A_474 = arith.index_cast %add3A_473 : i32 to index
      %get3A_475 = arith.constant 0 : index
      %get3A_476 = tpu.vector_load %arg8[%get3A_474, %get3A_475] {strides = array<i32>} : memref<384x64xf32, #tpu.memory_space<vmem>>, vector<16xf32>,
      %add3A_477 = arith.constant 6 : i32
      %add3A_478 = arith.addi %mul3A_148, %add3A_477 : i32
      %get3A_479 = arith.index_cast %add3A_478 : i32 to index
      %get3A_480 = arith.constant 0 : index
      %get3A_481 = tpu.vector_load %arg9[%get3A_479, %get3A_480] {strides = array<i32>} : memref<384x64xf32, #tpu.memory_space<vmem>>, vector<16xf32>,
      %mul3A_482 = arith.mulf %get3A_476, %get3A_481 : vector<16xf32>
      %add3A_483 = arith.addf %broadcast_in_dim3A_471, %mul3A_482 : vector<16xf32>
      %add3A_484 = arith.constant 6 : i32
      %add3A_485 = arith.addi %mul3A_148, %add3A_484 : i32
      %get3A_486 = arith.index_cast %add3A_485 : i32 to index
      %get3A_487 = arith.constant 16 : index
      %get3A_488 = tpu.vector_load %arg8[%get3A_486, %get3A_487] {strides = array<i32>} : memref<384x64xf32, #tpu.memory_space<vmem>>, vector<16xf32>,
      %add3A_489 = arith.constant 6 : i32
      %add3A_490 = arith.addi %mul3A_148, %add3A_489 : i32
      %get3A_491 = arith.index_cast %add3A_490 : i32 to index
      %get3A_492 = arith.constant 16 : index
      %get3A_493 = tpu.vector_load %arg9[%get3A_491, %get3A_492] {strides = array<i32>} : memref<384x64xf32, #tpu.memory_space<vmem>>, vector<16xf32>,
      %mul3A_494 = arith.mulf %get3A_488, %get3A_493 : vector<16xf32>
      %add3A_495 = arith.addf %add3A_483, %mul3A_494 : vector<16xf32>
      %add3A_496 = arith.constant 6 : i32
      %add3A_497 = arith.addi %mul3A_148, %add3A_496 : i32
      %get3A_498 = arith.index_cast %add3A_497 : i32 to index
      %get3A_499 = arith.constant 32 : index
      %get3A_500 = tpu.vector_load %arg8[%get3A_498, %get3A_499] {strides = array<i32>} : memref<384x64xf32, #tpu.memory_space<vmem>>, vector<16xf32>,
      %add3A_501 = arith.constant 6 : i32
      %add3A_502 = arith.addi %mul3A_148, %add3A_501 : i32
      %get3A_503 = arith.index_cast %add3A_502 : i32 to index
      %get3A_504 = arith.constant 32 : index
      %get3A_505 = tpu.vector_load %arg9[%get3A_503, %get3A_504] {strides = array<i32>} : memref<384x64xf32, #tpu.memory_space<vmem>>, vector<16xf32>,
      %mul3A_506 = arith.mulf %get3A_500, %get3A_505 : vector<16xf32>
      %add3A_507 = arith.addf %add3A_495, %mul3A_506 : vector<16xf32>
      %add3A_508 = arith.constant 6 : i32
      %add3A_509 = arith.addi %mul3A_148, %add3A_508 : i32
      %get3A_510 = arith.index_cast %add3A_509 : i32 to index
      %get3A_511 = arith.constant 48 : index
      %get3A_512 = tpu.vector_load %arg8[%get3A_510, %get3A_511] {strides = array<i32>} : memref<384x64xf32, #tpu.memory_space<vmem>>, vector<16xf32>,
      %add3A_513 = arith.constant 6 : i32
      %add3A_514 = arith.addi %mul3A_148, %add3A_513 : i32
      %get3A_515 = arith.index_cast %add3A_514 : i32 to index
      %get3A_516 = arith.constant 48 : index
      %get3A_517 = tpu.vector_load %arg9[%get3A_515, %get3A_516] {strides = array<i32>} : memref<384x64xf32, #tpu.memory_space<vmem>>, vector<16xf32>,
      %mul3A_518 = arith.mulf %get3A_512, %get3A_517 : vector<16xf32>
      %add3A_519 = arith.addf %add3A_507, %mul3A_518 : vector<16xf32>
      %swap3A_520 = arith.constant 6 : i32
      %swap3A_521 = arith.index_cast %swap3A_520 : i32 to index
      %swap3A_522 = arith.constant 0 : index
      %swap3A_523 = tpu.vector_load %arg11[%swap3A_521, %swap3A_522] {strides = array<i32>} : memref<16x17xf32, #tpu.memory_space<vmem>>, vector<16xf32>,
      tpu.vector_store %arg11[%swap3A_521, %swap3A_522], %add3A_519 {strides = array<i32>} : memref<16x17xf32, #tpu.memory_space<vmem>>, vector<16xf32>,
      %broadcast_in_dim3A_524 = arith.constant 0.000000e+00 : f32
      %broadcast_in_dim3A_525 = vector.broadcast %broadcast_in_dim3A_524 : f32 to vector<16xf32>
      %add3A_526 = arith.constant 7 : i32
      %add3A_527 = arith.addi %mul3A_148, %add3A_526 : i32
      %get3A_528 = arith.index_cast %add3A_527 : i32 to index
      %get3A_529 = arith.constant 0 : index
      %get3A_530 = tpu.vector_load %arg8[%get3A_528, %get3A_529] {strides = array<i32>} : memref<384x64xf32, #tpu.memory_space<vmem>>, vector<16xf32>,
      %add3A_531 = arith.constant 7 : i32
      %add3A_532 = arith.addi %mul3A_148, %add3A_531 : i32
      %get3A_533 = arith.index_cast %add3A_532 : i32 to index
      %get3A_534 = arith.constant 0 : index
      %get3A_535 = tpu.vector_load %arg9[%get3A_533, %get3A_534] {strides = array<i32>} : memref<384x64xf32, #tpu.memory_space<vmem>>, vector<16xf32>,
      %mul3A_536 = arith.mulf %get3A_530, %get3A_535 : vector<16xf32>
      %add3A_537 = arith.addf %broadcast_in_dim3A_525, %mul3A_536 : vector<16xf32>
      %add3A_538 = arith.constant 7 : i32
      %add3A_539 = arith.addi %mul3A_148, %add3A_538 : i32
      %get3A_540 = arith.index_cast %add3A_539 : i32 to index
      %get3A_541 = arith.constant 16 : index
      %get3A_542 = tpu.vector_load %arg8[%get3A_540, %get3A_541] {strides = array<i32>} : memref<384x64xf32, #tpu.memory_space<vmem>>, vector<16xf32>,
      %add3A_543 = arith.constant 7 : i32
      %add3A_544 = arith.addi %mul3A_148, %add3A_543 : i32
      %get3A_545 = arith.index_cast %add3A_544 : i32 to index
      %get3A_546 = arith.constant 16 : index
      %get3A_547 = tpu.vector_load %arg9[%get3A_545, %get3A_546] {strides = array<i32>} : memref<384x64xf32, #tpu.memory_space<vmem>>, vector<16xf32>,
      %mul3A_548 = arith.mulf %get3A_542, %get3A_547 : vector<16xf32>
      %add3A_549 = arith.addf %add3A_537, %mul3A_548 : vector<16xf32>
      %add3A_550 = arith.constant 7 : i32
      %add3A_551 = arith.addi %mul3A_148, %add3A_550 : i32
      %get3A_552 = arith.index_cast %add3A_551 : i32 to index
      %get3A_553 = arith.constant 32 : index
      %get3A_554 = tpu.vector_load %arg8[%get3A_552, %get3A_553] {strides = array<i32>} : memref<384x64xf32, #tpu.memory_space<vmem>>, vector<16xf32>,
      %add3A_555 = arith.constant 7 : i32
      %add3A_556 = arith.addi %mul3A_148, %add3A_555 : i32
      %get3A_557 = arith.index_cast %add3A_556 : i32 to index
      %get3A_558 = arith.constant 32 : index
      %get3A_559 = tpu.vector_load %arg9[%get3A_557, %get3A_558] {strides = array<i32>} : memref<384x64xf32, #tpu.memory_space<vmem>>, vector<16xf32>,
      %mul3A_560 = arith.mulf %get3A_554, %get3A_559 : vector<16xf32>
      %add3A_561 = arith.addf %add3A_549, %mul3A_560 : vector<16xf32>
      %add3A_562 = arith.constant 7 : i32
      %add3A_563 = arith.addi %mul3A_148, %add3A_562 : i32
      %get3A_564 = arith.index_cast %add3A_563 : i32 to index
      %get3A_565 = arith.constant 48 : index
      %get3A_566 = tpu.vector_load %arg8[%get3A_564, %get3A_565] {strides = array<i32>} : memref<384x64xf32, #tpu.memory_space<vmem>>, vector<16xf32>,
      %add3A_567 = arith.constant 7 : i32
      %add3A_568 = arith.addi %mul3A_148, %add3A_567 : i32
      %get3A_569 = arith.index_cast %add3A_568 : i32 to index
      %get3A_570 = arith.constant 48 : index
      %get3A_571 = tpu.vector_load %arg9[%get3A_569, %get3A_570] {strides = array<i32>} : memref<384x64xf32, #tpu.memory_space<vmem>>, vector<16xf32>,
      %mul3A_572 = arith.mulf %get3A_566, %get3A_571 : vector<16xf32>
      %add3A_573 = arith.addf %add3A_561, %mul3A_572 : vector<16xf32>
      %swap3A_574 = arith.constant 7 : i32
      %swap3A_575 = arith.index_cast %swap3A_574 : i32 to index
      %swap3A_576 = arith.constant 0 : index
      %swap3A_577 = tpu.vector_load %arg11[%swap3A_575, %swap3A_576] {strides = array<i32>} : memref<16x17xf32, #tpu.memory_space<vmem>>, vector<16xf32>,
      tpu.vector_store %arg11[%swap3A_575, %swap3A_576], %add3A_573 {strides = array<i32>} : memref<16x17xf32, #tpu.memory_space<vmem>>, vector<16xf32>,
      %broadcast_in_dim3A_578 = arith.constant 0.000000e+00 : f32
      %broadcast_in_dim3A_579 = vector.broadcast %broadcast_in_dim3A_578 : f32 to vector<16xf32>
      %add3A_580 = arith.constant 8 : i32
      %add3A_581 = arith.addi %mul3A_148, %add3A_580 : i32
      %get3A_582 = arith.index_cast %add3A_581 : i32 to index
      %get3A_583 = arith.constant 0 : index
      %get3A_584 = tpu.vector_load %arg8[%get3A_582, %get3A_583] {strides = array<i32>} : memref<384x64xf32, #tpu.memory_space<vmem>>, vector<16xf32>,
      %add3A_585 = arith.constant 8 : i32
      %add3A_586 = arith.addi %mul3A_148, %add3A_585 : i32
      %get3A_587 = arith.index_cast %add3A_586 : i32 to index
      %get3A_588 = arith.constant 0 : index
      %get3A_589 = tpu.vector_load %arg9[%get3A_587, %get3A_588] {strides = array<i32>} : memref<384x64xf32, #tpu.memory_space<vmem>>, vector<16xf32>,
      %mul3A_590 = arith.mulf %get3A_584, %get3A_589 : vector<16xf32>
      %add3A_591 = arith.addf %broadcast_in_dim3A_579, %mul3A_590 : vector<16xf32>
      %add3A_592 = arith.constant 8 : i32
      %add3A_593 = arith.addi %mul3A_148, %add3A_592 : i32
      %get3A_594 = arith.index_cast %add3A_593 : i32 to index
      %get3A_595 = arith.constant 16 : index
      %get3A_596 = tpu.vector_load %arg8[%get3A_594, %get3A_595] {strides = array<i32>} : memref<384x64xf32, #tpu.memory_space<vmem>>, vector<16xf32>,
      %add3A_597 = arith.constant 8 : i32
      %add3A_598 = arith.addi %mul3A_148, %add3A_597 : i32
      %get3A_599 = arith.index_cast %add3A_598 : i32 to index
      %get3A_600 = arith.constant 16 : index
      %get3A_601 = tpu.vector_load %arg9[%get3A_599, %get3A_600] {strides = array<i32>} : memref<384x64xf32, #tpu.memory_space<vmem>>, vector<16xf32>,
      %mul3A_602 = arith.mulf %get3A_596, %get3A_601 : vector<16xf32>
      %add3A_603 = arith.addf %add3A_591, %mul3A_602 : vector<16xf32>
      %add3A_604 = arith.constant 8 : i32
      %add3A_605 = arith.addi %mul3A_148, %add3A_604 : i32
      %get3A_606 = arith.index_cast %add3A_605 : i32 to index
      %get3A_607 = arith.constant 32 : index
      %get3A_608 = tpu.vector_load %arg8[%get3A_606, %get3A_607] {strides = array<i32>} : memref<384x64xf32, #tpu.memory_space<vmem>>, vector<16xf32>,
      %add3A_609 = arith.constant 8 : i32
      %add3A_610 = arith.addi %mul3A_148, %add3A_609 : i32
      %get3A_611 = arith.index_cast %add3A_610 : i32 to index
      %get3A_612 = arith.constant 32 : index
      %get3A_613 = tpu.vector_load %arg9[%get3A_611, %get3A_612] {strides = array<i32>} : memref<384x64xf32, #tpu.memory_space<vmem>>, vector<16xf32>,
      %mul3A_614 = arith.mulf %get3A_608, %get3A_613 : vector<16xf32>
      %add3A_615 = arith.addf %add3A_603, %mul3A_614 : vector<16xf32>
      %add3A_616 = arith.constant 8 : i32
      %add3A_617 = arith.addi %mul3A_148, %add3A_616 : i32
      %get3A_618 = arith.index_cast %add3A_617 : i32 to index
      %get3A_619 = arith.constant 48 : index
      %get3A_620 = tpu.vector_load %arg8[%get3A_618, %get3A_619] {strides = array<i32>} : memref<384x64xf32, #tpu.memory_space<vmem>>, vector<16xf32>,
      %add3A_621 = arith.constant 8 : i32
      %add3A_622 = arith.addi %mul3A_148, %add3A_621 : i32
      %get3A_623 = arith.index_cast %add3A_622 : i32 to index
      %get3A_624 = arith.constant 48 : index
      %get3A_625 = tpu.vector_load %arg9[%get3A_623, %get3A_624] {strides = array<i32>} : memref<384x64xf32, #tpu.memory_space<vmem>>, vector<16xf32>,
      %mul3A_626 = arith.mulf %get3A_620, %get3A_625 : vector<16xf32>
      %add3A_627 = arith.addf %add3A_615, %mul3A_626 : vector<16xf32>
      %swap3A_628 = arith.constant 8 : i32
      %swap3A_629 = arith.index_cast %swap3A_628 : i32 to index
      %swap3A_630 = arith.constant 0 : index
      %swap3A_631 = tpu.vector_load %arg11[%swap3A_629, %swap3A_630] {strides = array<i32>} : memref<16x17xf32, #tpu.memory_space<vmem>>, vector<16xf32>,
      tpu.vector_store %arg11[%swap3A_629, %swap3A_630], %add3A_627 {strides = array<i32>} : memref<16x17xf32, #tpu.memory_space<vmem>>, vector<16xf32>,
      %broadcast_in_dim3A_632 = arith.constant 0.000000e+00 : f32
      %broadcast_in_dim3A_633 = vector.broadcast %broadcast_in_dim3A_632 : f32 to vector<16xf32>
      %add3A_634 = arith.constant 9 : i32
      %add3A_635 = arith.addi %mul3A_148, %add3A_634 : i32
      %get3A_636 = arith.index_cast %add3A_635 : i32 to index
      %get3A_637 = arith.constant 0 : index
      %get3A_638 = tpu.vector_load %arg8[%get3A_636, %get3A_637] {strides = array<i32>} : memref<384x64xf32, #tpu.memory_space<vmem>>, vector<16xf32>,
      %add3A_639 = arith.constant 9 : i32
      %add3A_640 = arith.addi %mul3A_148, %add3A_639 : i32
      %get3A_641 = arith.index_cast %add3A_640 : i32 to index
      %get3A_642 = arith.constant 0 : index
      %get3A_643 = tpu.vector_load %arg9[%get3A_641, %get3A_642] {strides = array<i32>} : memref<384x64xf32, #tpu.memory_space<vmem>>, vector<16xf32>,
      %mul3A_644 = arith.mulf %get3A_638, %get3A_643 : vector<16xf32>
      %add3A_645 = arith.addf %broadcast_in_dim3A_633, %mul3A_644 : vector<16xf32>
      %add3A_646 = arith.constant 9 : i32
      %add3A_647 = arith.addi %mul3A_148, %add3A_646 : i32
      %get3A_648 = arith.index_cast %add3A_647 : i32 to index
      %get3A_649 = arith.constant 16 : index
      %get3A_650 = tpu.vector_load %arg8[%get3A_648, %get3A_649] {strides = array<i32>} : memref<384x64xf32, #tpu.memory_space<vmem>>, vector<16xf32>,
      %add3A_651 = arith.constant 9 : i32
      %add3A_652 = arith.addi %mul3A_148, %add3A_651 : i32
      %get3A_653 = arith.index_cast %add3A_652 : i32 to index
      %get3A_654 = arith.constant 16 : index
      %get3A_655 = tpu.vector_load %arg9[%get3A_653, %get3A_654] {strides = array<i32>} : memref<384x64xf32, #tpu.memory_space<vmem>>, vector<16xf32>,
      %mul3A_656 = arith.mulf %get3A_650, %get3A_655 : vector<16xf32>
      %add3A_657 = arith.addf %add3A_645, %mul3A_656 : vector<16xf32>
      %add3A_658 = arith.constant 9 : i32
      %add3A_659 = arith.addi %mul3A_148, %add3A_658 : i32
      %get3A_660 = arith.index_cast %add3A_659 : i32 to index
      %get3A_661 = arith.constant 32 : index
      %get3A_662 = tpu.vector_load %arg8[%get3A_660, %get3A_661] {strides = array<i32>} : memref<384x64xf32, #tpu.memory_space<vmem>>, vector<16xf32>,
      %add3A_663 = arith.constant 9 : i32
      %add3A_664 = arith.addi %mul3A_148, %add3A_663 : i32
      %get3A_665 = arith.index_cast %add3A_664 : i32 to index
      %get3A_666 = arith.constant 32 : index
      %get3A_667 = tpu.vector_load %arg9[%get3A_665, %get3A_666] {strides = array<i32>} : memref<384x64xf32, #tpu.memory_space<vmem>>, vector<16xf32>,
      %mul3A_668 = arith.mulf %get3A_662, %get3A_667 : vector<16xf32>
      %add3A_669 = arith.addf %add3A_657, %mul3A_668 : vector<16xf32>
      %add3A_670 = arith.constant 9 : i32
      %add3A_671 = arith.addi %mul3A_148, %add3A_670 : i32
      %get3A_672 = arith.index_cast %add3A_671 : i32 to index
      %get3A_673 = arith.constant 48 : index
      %get3A_674 = tpu.vector_load %arg8[%get3A_672, %get3A_673] {strides = array<i32>} : memref<384x64xf32, #tpu.memory_space<vmem>>, vector<16xf32>,
      %add3A_675 = arith.constant 9 : i32
      %add3A_676 = arith.addi %mul3A_148, %add3A_675 : i32
      %get3A_677 = arith.index_cast %add3A_676 : i32 to index
      %get3A_678 = arith.constant 48 : index
      %get3A_679 = tpu.vector_load %arg9[%get3A_677, %get3A_678] {strides = array<i32>} : memref<384x64xf32, #tpu.memory_space<vmem>>, vector<16xf32>,
      %mul3A_680 = arith.mulf %get3A_674, %get3A_679 : vector<16xf32>
      %add3A_681 = arith.addf %add3A_669, %mul3A_680 : vector<16xf32>
      %swap3A_682 = arith.constant 9 : i32
      %swap3A_683 = arith.index_cast %swap3A_682 : i32 to index
      %swap3A_684 = arith.constant 0 : index
      %swap3A_685 = tpu.vector_load %arg11[%swap3A_683, %swap3A_684] {strides = array<i32>} : memref<16x17xf32, #tpu.memory_space<vmem>>, vector<16xf32>,
      tpu.vector_store %arg11[%swap3A_683, %swap3A_684], %add3A_681 {strides = array<i32>} : memref<16x17xf32, #tpu.memory_space<vmem>>, vector<16xf32>,
      %broadcast_in_dim3A_686 = arith.constant 0.000000e+00 : f32
      %broadcast_in_dim3A_687 = vector.broadcast %broadcast_in_dim3A_686 : f32 to vector<16xf32>
      %add3A_688 = arith.constant 10 : i32
      %add3A_689 = arith.addi %mul3A_148, %add3A_688 : i32
      %get3A_690 = arith.index_cast %add3A_689 : i32 to index
      %get3A_691 = arith.constant 0 : index
      %get3A_692 = tpu.vector_load %arg8[%get3A_690, %get3A_691] {strides = array<i32>} : memref<384x64xf32, #tpu.memory_space<vmem>>, vector<16xf32>,
      %add3A_693 = arith.constant 10 : i32
      %add3A_694 = arith.addi %mul3A_148, %add3A_693 : i32
      %get3A_695 = arith.index_cast %add3A_694 : i32 to index
      %get3A_696 = arith.constant 0 : index
      %get3A_697 = tpu.vector_load %arg9[%get3A_695, %get3A_696] {strides = array<i32>} : memref<384x64xf32, #tpu.memory_space<vmem>>, vector<16xf32>,
      %mul3A_698 = arith.mulf %get3A_692, %get3A_697 : vector<16xf32>
      %add3A_699 = arith.addf %broadcast_in_dim3A_687, %mul3A_698 : vector<16xf32>
      %add3A_700 = arith.constant 10 : i32
      %add3A_701 = arith.addi %mul3A_148, %add3A_700 : i32
      %get3A_702 = arith.index_cast %add3A_701 : i32 to index
      %get3A_703 = arith.constant 16 : index
      %get3A_704 = tpu.vector_load %arg8[%get3A_702, %get3A_703] {strides = array<i32>} : memref<384x64xf32, #tpu.memory_space<vmem>>, vector<16xf32>,
      %add3A_705 = arith.constant 10 : i32
      %add3A_706 = arith.addi %mul3A_148, %add3A_705 : i32
      %get3A_707 = arith.index_cast %add3A_706 : i32 to index
      %get3A_708 = arith.constant 16 : index
      %get3A_709 = tpu.vector_load %arg9[%get3A_707, %get3A_708] {strides = array<i32>} : memref<384x64xf32, #tpu.memory_space<vmem>>, vector<16xf32>,
      %mul3A_710 = arith.mulf %get3A_704, %get3A_709 : vector<16xf32>
      %add3A_711 = arith.addf %add3A_699, %mul3A_710 : vector<16xf32>
      %add3A_712 = arith.constant 10 : i32
      %add3A_713 = arith.addi %mul3A_148, %add3A_712 : i32
      %get3A_714 = arith.index_cast %add3A_713 : i32 to index
      %get3A_715 = arith.constant 32 : index
      %get3A_716 = tpu.vector_load %arg8[%get3A_714, %get3A_715] {strides = array<i32>} : memref<384x64xf32, #tpu.memory_space<vmem>>, vector<16xf32>,
      %add3A_717 = arith.constant 10 : i32
      %add3A_718 = arith.addi %mul3A_148, %add3A_717 : i32
      %get3A_719 = arith.index_cast %add3A_718 : i32 to index
      %get3A_720 = arith.constant 32 : index
      %get3A_721 = tpu.vector_load %arg9[%get3A_719, %get3A_720] {strides = array<i32>} : memref<384x64xf32, #tpu.memory_space<vmem>>, vector<16xf32>,
      %mul3A_722 = arith.mulf %get3A_716, %get3A_721 : vector<16xf32>
      %add3A_723 = arith.addf %add3A_711, %mul3A_722 : vector<16xf32>
      %add3A_724 = arith.constant 10 : i32
      %add3A_725 = arith.addi %mul3A_148, %add3A_724 : i32
      %get3A_726 = arith.index_cast %add3A_725 : i32 to index
      %get3A_727 = arith.constant 48 : index
      %get3A_728 = tpu.vector_load %arg8[%get3A_726, %get3A_727] {strides = array<i32>} : memref<384x64xf32, #tpu.memory_space<vmem>>, vector<16xf32>,
      %add3A_729 = arith.constant 10 : i32
      %add3A_730 = arith.addi %mul3A_148, %add3A_729 : i32
      %get3A_731 = arith.index_cast %add3A_730 : i32 to index
      %get3A_732 = arith.constant 48 : index
      %get3A_733 = tpu.vector_load %arg9[%get3A_731, %get3A_732] {strides = array<i32>} : memref<384x64xf32, #tpu.memory_space<vmem>>, vector<16xf32>,
      %mul3A_734 = arith.mulf %get3A_728, %get3A_733 : vector<16xf32>
      %add3A_735 = arith.addf %add3A_723, %mul3A_734 : vector<16xf32>
      %swap3A_736 = arith.constant 10 : i32
      %swap3A_737 = arith.index_cast %swap3A_736 : i32 to index
      %swap3A_738 = arith.constant 0 : index
      %swap3A_739 = tpu.vector_load %arg11[%swap3A_737, %swap3A_738] {strides = array<i32>} : memref<16x17xf32, #tpu.memory_space<vmem>>, vector<16xf32>,
      tpu.vector_store %arg11[%swap3A_737, %swap3A_738], %add3A_735 {strides = array<i32>} : memref<16x17xf32, #tpu.memory_space<vmem>>, vector<16xf32>,
      %broadcast_in_dim3A_740 = arith.constant 0.000000e+00 : f32
      %broadcast_in_dim3A_741 = vector.broadcast %broadcast_in_dim3A_740 : f32 to vector<16xf32>
      %add3A_742 = arith.constant 11 : i32
      %add3A_743 = arith.addi %mul3A_148, %add3A_742 : i32
      %get3A_744 = arith.index_cast %add3A_743 : i32 to index
      %get3A_745 = arith.constant 0 : index
      %get3A_746 = tpu.vector_load %arg8[%get3A_744, %get3A_745] {strides = array<i32>} : memref<384x64xf32, #tpu.memory_space<vmem>>, vector<16xf32>,
      %add3A_747 = arith.constant 11 : i32
      %add3A_748 = arith.addi %mul3A_148, %add3A_747 : i32
      %get3A_749 = arith.index_cast %add3A_748 : i32 to index
      %get3A_750 = arith.constant 0 : index
      %get3A_751 = tpu.vector_load %arg9[%get3A_749, %get3A_750] {strides = array<i32>} : memref<384x64xf32, #tpu.memory_space<vmem>>, vector<16xf32>,
      %mul3A_752 = arith.mulf %get3A_746, %get3A_751 : vector<16xf32>
      %add3A_753 = arith.addf %broadcast_in_dim3A_741, %mul3A_752 : vector<16xf32>
      %add3A_754 = arith.constant 11 : i32
      %add3A_755 = arith.addi %mul3A_148, %add3A_754 : i32
      %get3A_756 = arith.index_cast %add3A_755 : i32 to index
      %get3A_757 = arith.constant 16 : index
      %get3A_758 = tpu.vector_load %arg8[%get3A_756, %get3A_757] {strides = array<i32>} : memref<384x64xf32, #tpu.memory_space<vmem>>, vector<16xf32>,
      %add3A_759 = arith.constant 11 : i32
      %add3A_760 = arith.addi %mul3A_148, %add3A_759 : i32
      %get3A_761 = arith.index_cast %add3A_760 : i32 to index
      %get3A_762 = arith.constant 16 : index
      %get3A_763 = tpu.vector_load %arg9[%get3A_761, %get3A_762] {strides = array<i32>} : memref<384x64xf32, #tpu.memory_space<vmem>>, vector<16xf32>,
      %mul3A_764 = arith.mulf %get3A_758, %get3A_763 : vector<16xf32>
      %add3A_765 = arith.addf %add3A_753, %mul3A_764 : vector<16xf32>
      %add3A_766 = arith.constant 11 : i32
      %add3A_767 = arith.addi %mul3A_148, %add3A_766 : i32
      %get3A_768 = arith.index_cast %add3A_767 : i32 to index
      %get3A_769 = arith.constant 32 : index
      %get3A_770 = tpu.vector_load %arg8[%get3A_768, %get3A_769] {strides = array<i32>} : memref<384x64xf32, #tpu.memory_space<vmem>>, vector<16xf32>,
      %add3A_771 = arith.constant 11 : i32
      %add3A_772 = arith.addi %mul3A_148, %add3A_771 : i32
      %get3A_773 = arith.index_cast %add3A_772 : i32 to index
      %get3A_774 = arith.constant 32 : index
      %get3A_775 = tpu.vector_load %arg9[%get3A_773, %get3A_774] {strides = array<i32>} : memref<384x64xf32, #tpu.memory_space<vmem>>, vector<16xf32>,
      %mul3A_776 = arith.mulf %get3A_770, %get3A_775 : vector<16xf32>
      %add3A_777 = arith.addf %add3A_765, %mul3A_776 : vector<16xf32>
      %add3A_778 = arith.constant 11 : i32
      %add3A_779 = arith.addi %mul3A_148, %add3A_778 : i32
      %get3A_780 = arith.index_cast %add3A_779 : i32 to index
      %get3A_781 = arith.constant 48 : index
      %get3A_782 = tpu.vector_load %arg8[%get3A_780, %get3A_781] {strides = array<i32>} : memref<384x64xf32, #tpu.memory_space<vmem>>, vector<16xf32>,
      %add3A_783 = arith.constant 11 : i32
      %add3A_784 = arith.addi %mul3A_148, %add3A_783 : i32
      %get3A_785 = arith.index_cast %add3A_784 : i32 to index
      %get3A_786 = arith.constant 48 : index
      %get3A_787 = tpu.vector_load %arg9[%get3A_785, %get3A_786] {strides = array<i32>} : memref<384x64xf32, #tpu.memory_space<vmem>>, vector<16xf32>,
      %mul3A_788 = arith.mulf %get3A_782, %get3A_787 : vector<16xf32>
      %add3A_789 = arith.addf %add3A_777, %mul3A_788 : vector<16xf32>
      %swap3A_790 = arith.constant 11 : i32
      %swap3A_791 = arith.index_cast %swap3A_790 : i32 to index
      %swap3A_792 = arith.constant 0 : index
      %swap3A_793 = tpu.vector_load %arg11[%swap3A_791, %swap3A_792] {strides = array<i32>} : memref<16x17xf32, #tpu.memory_space<vmem>>, vector<16xf32>,
      tpu.vector_store %arg11[%swap3A_791, %swap3A_792], %add3A_789 {strides = array<i32>} : memref<16x17xf32, #tpu.memory_space<vmem>>, vector<16xf32>,
      %broadcast_in_dim3A_794 = arith.constant 0.000000e+00 : f32
      %broadcast_in_dim3A_795 = vector.broadcast %broadcast_in_dim3A_794 : f32 to vector<16xf32>
      %add3A_796 = arith.constant 12 : i32
      %add3A_797 = arith.addi %mul3A_148, %add3A_796 : i32
      %get3A_798 = arith.index_cast %add3A_797 : i32 to index
      %get3A_799 = arith.constant 0 : index
      %get3A_800 = tpu.vector_load %arg8[%get3A_798, %get3A_799] {strides = array<i32>} : memref<384x64xf32, #tpu.memory_space<vmem>>, vector<16xf32>,
      %add3A_801 = arith.constant 12 : i32
      %add3A_802 = arith.addi %mul3A_148, %add3A_801 : i32
      %get3A_803 = arith.index_cast %add3A_802 : i32 to index
      %get3A_804 = arith.constant 0 : index
      %get3A_805 = tpu.vector_load %arg9[%get3A_803, %get3A_804] {strides = array<i32>} : memref<384x64xf32, #tpu.memory_space<vmem>>, vector<16xf32>,
      %mul3A_806 = arith.mulf %get3A_800, %get3A_805 : vector<16xf32>
      %add3A_807 = arith.addf %broadcast_in_dim3A_795, %mul3A_806 : vector<16xf32>
      %add3A_808 = arith.constant 12 : i32
      %add3A_809 = arith.addi %mul3A_148, %add3A_808 : i32
      %get3A_810 = arith.index_cast %add3A_809 : i32 to index
      %get3A_811 = arith.constant 16 : index
      %get3A_812 = tpu.vector_load %arg8[%get3A_810, %get3A_811] {strides = array<i32>} : memref<384x64xf32, #tpu.memory_space<vmem>>, vector<16xf32>,
      %add3A_813 = arith.constant 12 : i32
      %add3A_814 = arith.addi %mul3A_148, %add3A_813 : i32
      %get3A_815 = arith.index_cast %add3A_814 : i32 to index
      %get3A_816 = arith.constant 16 : index
      %get3A_817 = tpu.vector_load %arg9[%get3A_815, %get3A_816] {strides = array<i32>} : memref<384x64xf32, #tpu.memory_space<vmem>>, vector<16xf32>,
      %mul3A_818 = arith.mulf %get3A_812, %get3A_817 : vector<16xf32>
      %add3A_819 = arith.addf %add3A_807, %mul3A_818 : vector<16xf32>
      %add3A_820 = arith.constant 12 : i32
      %add3A_821 = arith.addi %mul3A_148, %add3A_820 : i32
      %get3A_822 = arith.index_cast %add3A_821 : i32 to index
      %get3A_823 = arith.constant 32 : index
      %get3A_824 = tpu.vector_load %arg8[%get3A_822, %get3A_823] {strides = array<i32>} : memref<384x64xf32, #tpu.memory_space<vmem>>, vector<16xf32>,
      %add3A_825 = arith.constant 12 : i32
      %add3A_826 = arith.addi %mul3A_148, %add3A_825 : i32
      %get3A_827 = arith.index_cast %add3A_826 : i32 to index
      %get3A_828 = arith.constant 32 : index
      %get3A_829 = tpu.vector_load %arg9[%get3A_827, %get3A_828] {strides = array<i32>} : memref<384x64xf32, #tpu.memory_space<vmem>>, vector<16xf32>,
      %mul3A_830 = arith.mulf %get3A_824, %get3A_829 : vector<16xf32>
      %add3A_831 = arith.addf %add3A_819, %mul3A_830 : vector<16xf32>
      %add3A_832 = arith.constant 12 : i32
      %add3A_833 = arith.addi %mul3A_148, %add3A_832 : i32
      %get3A_834 = arith.index_cast %add3A_833 : i32 to index
      %get3A_835 = arith.constant 48 : index
      %get3A_836 = tpu.vector_load %arg8[%get3A_834, %get3A_835] {strides = array<i32>} : memref<384x64xf32, #tpu.memory_space<vmem>>, vector<16xf32>,
      %add3A_837 = arith.constant 12 : i32
      %add3A_838 = arith.addi %mul3A_148, %add3A_837 : i32
      %get3A_839 = arith.index_cast %add3A_838 : i32 to index
      %get3A_840 = arith.constant 48 : index
      %get3A_841 = tpu.vector_load %arg9[%get3A_839, %get3A_840] {strides = array<i32>} : memref<384x64xf32, #tpu.memory_space<vmem>>, vector<16xf32>,
      %mul3A_842 = arith.mulf %get3A_836, %get3A_841 : vector<16xf32>
      %add3A_843 = arith.addf %add3A_831, %mul3A_842 : vector<16xf32>
      %swap3A_844 = arith.constant 12 : i32
      %swap3A_845 = arith.index_cast %swap3A_844 : i32 to index
      %swap3A_846 = arith.constant 0 : index
      %swap3A_847 = tpu.vector_load %arg11[%swap3A_845, %swap3A_846] {strides = array<i32>} : memref<16x17xf32, #tpu.memory_space<vmem>>, vector<16xf32>,
      tpu.vector_store %arg11[%swap3A_845, %swap3A_846], %add3A_843 {strides = array<i32>} : memref<16x17xf32, #tpu.memory_space<vmem>>, vector<16xf32>,
      %broadcast_in_dim3A_848 = arith.constant 0.000000e+00 : f32
      %broadcast_in_dim3A_849 = vector.broadcast %broadcast_in_dim3A_848 : f32 to vector<16xf32>
      %add3A_850 = arith.constant 13 : i32
      %add3A_851 = arith.addi %mul3A_148, %add3A_850 : i32
      %get3A_852 = arith.index_cast %add3A_851 : i32 to index
      %get3A_853 = arith.constant 0 : index
      %get3A_854 = tpu.vector_load %arg8[%get3A_852, %get3A_853] {strides = array<i32>} : memref<384x64xf32, #tpu.memory_space<vmem>>, vector<16xf32>,
      %add3A_855 = arith.constant 13 : i32
      %add3A_856 = arith.addi %mul3A_148, %add3A_855 : i32
      %get3A_857 = arith.index_cast %add3A_856 : i32 to index
      %get3A_858 = arith.constant 0 : index
      %get3A_859 = tpu.vector_load %arg9[%get3A_857, %get3A_858] {strides = array<i32>} : memref<384x64xf32, #tpu.memory_space<vmem>>, vector<16xf32>,
      %mul3A_860 = arith.mulf %get3A_854, %get3A_859 : vector<16xf32>
      %add3A_861 = arith.addf %broadcast_in_dim3A_849, %mul3A_860 : vector<16xf32>
      %add3A_862 = arith.constant 13 : i32
      %add3A_863 = arith.addi %mul3A_148, %add3A_862 : i32
      %get3A_864 = arith.index_cast %add3A_863 : i32 to index
      %get3A_865 = arith.constant 16 : index
      %get3A_866 = tpu.vector_load %arg8[%get3A_864, %get3A_865] {strides = array<i32>} : memref<384x64xf32, #tpu.memory_space<vmem>>, vector<16xf32>,
      %add3A_867 = arith.constant 13 : i32
      %add3A_868 = arith.addi %mul3A_148, %add3A_867 : i32
      %get3A_869 = arith.index_cast %add3A_868 : i32 to index
      %get3A_870 = arith.constant 16 : index
      %get3A_871 = tpu.vector_load %arg9[%get3A_869, %get3A_870] {strides = array<i32>} : memref<384x64xf32, #tpu.memory_space<vmem>>, vector<16xf32>,
      %mul3A_872 = arith.mulf %get3A_866, %get3A_871 : vector<16xf32>
      %add3A_873 = arith.addf %add3A_861, %mul3A_872 : vector<16xf32>
      %add3A_874 = arith.constant 13 : i32
      %add3A_875 = arith.addi %mul3A_148, %add3A_874 : i32
      %get3A_876 = arith.index_cast %add3A_875 : i32 to index
      %get3A_877 = arith.constant 32 : index
      %get3A_878 = tpu.vector_load %arg8[%get3A_876, %get3A_877] {strides = array<i32>} : memref<384x64xf32, #tpu.memory_space<vmem>>, vector<16xf32>,
      %add3A_879 = arith.constant 13 : i32
      %add3A_880 = arith.addi %mul3A_148, %add3A_879 : i32
      %get3A_881 = arith.index_cast %add3A_880 : i32 to index
      %get3A_882 = arith.constant 32 : index
      %get3A_883 = tpu.vector_load %arg9[%get3A_881, %get3A_882] {strides = array<i32>} : memref<384x64xf32, #tpu.memory_space<vmem>>, vector<16xf32>,
      %mul3A_884 = arith.mulf %get3A_878, %get3A_883 : vector<16xf32>
      %add3A_885 = arith.addf %add3A_873, %mul3A_884 : vector<16xf32>
      %add3A_886 = arith.constant 13 : i32
      %add3A_887 = arith.addi %mul3A_148, %add3A_886 : i32
      %get3A_888 = arith.index_cast %add3A_887 : i32 to index
      %get3A_889 = arith.constant 48 : index
      %get3A_890 = tpu.vector_load %arg8[%get3A_888, %get3A_889] {strides = array<i32>} : memref<384x64xf32, #tpu.memory_space<vmem>>, vector<16xf32>,
      %add3A_891 = arith.constant 13 : i32
      %add3A_892 = arith.addi %mul3A_148, %add3A_891 : i32
      %get3A_893 = arith.index_cast %add3A_892 : i32 to index
      %get3A_894 = arith.constant 48 : index
      %get3A_895 = tpu.vector_load %arg9[%get3A_893, %get3A_894] {strides = array<i32>} : memref<384x64xf32, #tpu.memory_space<vmem>>, vector<16xf32>,
      %mul3A_896 = arith.mulf %get3A_890, %get3A_895 : vector<16xf32>
      %add3A_897 = arith.addf %add3A_885, %mul3A_896 : vector<16xf32>
      %swap3A_898 = arith.constant 13 : i32
      %swap3A_899 = arith.index_cast %swap3A_898 : i32 to index
      %swap3A_900 = arith.constant 0 : index
      %swap3A_901 = tpu.vector_load %arg11[%swap3A_899, %swap3A_900] {strides = array<i32>} : memref<16x17xf32, #tpu.memory_space<vmem>>, vector<16xf32>,
      tpu.vector_store %arg11[%swap3A_899, %swap3A_900], %add3A_897 {strides = array<i32>} : memref<16x17xf32, #tpu.memory_space<vmem>>, vector<16xf32>,
      %broadcast_in_dim3A_902 = arith.constant 0.000000e+00 : f32
      %broadcast_in_dim3A_903 = vector.broadcast %broadcast_in_dim3A_902 : f32 to vector<16xf32>
      %add3A_904 = arith.constant 14 : i32
      %add3A_905 = arith.addi %mul3A_148, %add3A_904 : i32
      %get3A_906 = arith.index_cast %add3A_905 : i32 to index
      %get3A_907 = arith.constant 0 : index
      %get3A_908 = tpu.vector_load %arg8[%get3A_906, %get3A_907] {strides = array<i32>} : memref<384x64xf32, #tpu.memory_space<vmem>>, vector<16xf32>,
      %add3A_909 = arith.constant 14 : i32
      %add3A_910 = arith.addi %mul3A_148, %add3A_909 : i32
      %get3A_911 = arith.index_cast %add3A_910 : i32 to index
      %get3A_912 = arith.constant 0 : index
      %get3A_913 = tpu.vector_load %arg9[%get3A_911, %get3A_912] {strides = array<i32>} : memref<384x64xf32, #tpu.memory_space<vmem>>, vector<16xf32>,
      %mul3A_914 = arith.mulf %get3A_908, %get3A_913 : vector<16xf32>
      %add3A_915 = arith.addf %broadcast_in_dim3A_903, %mul3A_914 : vector<16xf32>
      %add3A_916 = arith.constant 14 : i32
      %add3A_917 = arith.addi %mul3A_148, %add3A_916 : i32
      %get3A_918 = arith.index_cast %add3A_917 : i32 to index
      %get3A_919 = arith.constant 16 : index
      %get3A_920 = tpu.vector_load %arg8[%get3A_918, %get3A_919] {strides = array<i32>} : memref<384x64xf32, #tpu.memory_space<vmem>>, vector<16xf32>,
      %add3A_921 = arith.constant 14 : i32
      %add3A_922 = arith.addi %mul3A_148, %add3A_921 : i32
      %get3A_923 = arith.index_cast %add3A_922 : i32 to index
      %get3A_924 = arith.constant 16 : index
      %get3A_925 = tpu.vector_load %arg9[%get3A_923, %get3A_924] {strides = array<i32>} : memref<384x64xf32, #tpu.memory_space<vmem>>, vector<16xf32>,
      %mul3A_926 = arith.mulf %get3A_920, %get3A_925 : vector<16xf32>
      %add3A_927 = arith.addf %add3A_915, %mul3A_926 : vector<16xf32>
      %add3A_928 = arith.constant 14 : i32
      %add3A_929 = arith.addi %mul3A_148, %add3A_928 : i32
      %get3A_930 = arith.index_cast %add3A_929 : i32 to index
      %get3A_931 = arith.constant 32 : index
      %get3A_932 = tpu.vector_load %arg8[%get3A_930, %get3A_931] {strides = array<i32>} : memref<384x64xf32, #tpu.memory_space<vmem>>, vector<16xf32>,
      %add3A_933 = arith.constant 14 : i32
      %add3A_934 = arith.addi %mul3A_148, %add3A_933 : i32
      %get3A_935 = arith.index_cast %add3A_934 : i32 to index
      %get3A_936 = arith.constant 32 : index
      %get3A_937 = tpu.vector_load %arg9[%get3A_935, %get3A_936] {strides = array<i32>} : memref<384x64xf32, #tpu.memory_space<vmem>>, vector<16xf32>,
      %mul3A_938 = arith.mulf %get3A_932, %get3A_937 : vector<16xf32>
      %add3A_939 = arith.addf %add3A_927, %mul3A_938 : vector<16xf32>
      %add3A_940 = arith.constant 14 : i32
      %add3A_941 = arith.addi %mul3A_148, %add3A_940 : i32
      %get3A_942 = arith.index_cast %add3A_941 : i32 to index
      %get3A_943 = arith.constant 48 : index
      %get3A_944 = tpu.vector_load %arg8[%get3A_942, %get3A_943] {strides = array<i32>} : memref<384x64xf32, #tpu.memory_space<vmem>>, vector<16xf32>,
      %add3A_945 = arith.constant 14 : i32
      %add3A_946 = arith.addi %mul3A_148, %add3A_945 : i32
      %get3A_947 = arith.index_cast %add3A_946 : i32 to index
      %get3A_948 = arith.constant 48 : index
      %get3A_949 = tpu.vector_load %arg9[%get3A_947, %get3A_948] {strides = array<i32>} : memref<384x64xf32, #tpu.memory_space<vmem>>, vector<16xf32>,
      %mul3A_950 = arith.mulf %get3A_944, %get3A_949 : vector<16xf32>
      %add3A_951 = arith.addf %add3A_939, %mul3A_950 : vector<16xf32>
      %swap3A_952 = arith.constant 14 : i32
      %swap3A_953 = arith.index_cast %swap3A_952 : i32 to index
      %swap3A_954 = arith.constant 0 : index
      %swap3A_955 = tpu.vector_load %arg11[%swap3A_953, %swap3A_954] {strides = array<i32>} : memref<16x17xf32, #tpu.memory_space<vmem>>, vector<16xf32>,
      tpu.vector_store %arg11[%swap3A_953, %swap3A_954], %add3A_951 {strides = array<i32>} : memref<16x17xf32, #tpu.memory_space<vmem>>, vector<16xf32>,
      %broadcast_in_dim3A_956 = arith.constant 0.000000e+00 : f32
      %broadcast_in_dim3A_957 = vector.broadcast %broadcast_in_dim3A_956 : f32 to vector<16xf32>
      %add3A_958 = arith.constant 15 : i32
      %add3A_959 = arith.addi %mul3A_148, %add3A_958 : i32
      %get3A_960 = arith.index_cast %add3A_959 : i32 to index
      %get3A_961 = arith.constant 0 : index
      %get3A_962 = tpu.vector_load %arg8[%get3A_960, %get3A_961] {strides = array<i32>} : memref<384x64xf32, #tpu.memory_space<vmem>>, vector<16xf32>,
      %add3A_963 = arith.constant 15 : i32
      %add3A_964 = arith.addi %mul3A_148, %add3A_963 : i32
      %get3A_965 = arith.index_cast %add3A_964 : i32 to index
      %get3A_966 = arith.constant 0 : index
      %get3A_967 = tpu.vector_load %arg9[%get3A_965, %get3A_966] {strides = array<i32>} : memref<384x64xf32, #tpu.memory_space<vmem>>, vector<16xf32>,
      %mul3A_968 = arith.mulf %get3A_962, %get3A_967 : vector<16xf32>
      %add3A_969 = arith.addf %broadcast_in_dim3A_957, %mul3A_968 : vector<16xf32>
      %add3A_970 = arith.constant 15 : i32
      %add3A_971 = arith.addi %mul3A_148, %add3A_970 : i32
      %get3A_972 = arith.index_cast %add3A_971 : i32 to index
      %get3A_973 = arith.constant 16 : index
      %get3A_974 = tpu.vector_load %arg8[%get3A_972, %get3A_973] {strides = array<i32>} : memref<384x64xf32, #tpu.memory_space<vmem>>, vector<16xf32>,
      %add3A_975 = arith.constant 15 : i32
      %add3A_976 = arith.addi %mul3A_148, %add3A_975 : i32
      %get3A_977 = arith.index_cast %add3A_976 : i32 to index
      %get3A_978 = arith.constant 16 : index
      %get3A_979 = tpu.vector_load %arg9[%get3A_977, %get3A_978] {strides = array<i32>} : memref<384x64xf32, #tpu.memory_space<vmem>>, vector<16xf32>,
      %mul3A_980 = arith.mulf %get3A_974, %get3A_979 : vector<16xf32>
      %add3A_981 = arith.addf %add3A_969, %mul3A_980 : vector<16xf32>
      %add3A_982 = arith.constant 15 : i32
      %add3A_983 = arith.addi %mul3A_148, %add3A_982 : i32
      %get3A_984 = arith.index_cast %add3A_983 : i32 to index
      %get3A_985 = arith.constant 32 : index
      %get3A_986 = tpu.vector_load %arg8[%get3A_984, %get3A_985] {strides = array<i32>} : memref<384x64xf32, #tpu.memory_space<vmem>>, vector<16xf32>,
      %add3A_987 = arith.constant 15 : i32
      %add3A_988 = arith.addi %mul3A_148, %add3A_987 : i32
      %get3A_989 = arith.index_cast %add3A_988 : i32 to index
      %get3A_990 = arith.constant 32 : index
      %get3A_991 = tpu.vector_load %arg9[%get3A_989, %get3A_990] {strides = array<i32>} : memref<384x64xf32, #tpu.memory_space<vmem>>, vector<16xf32>,
      %mul3A_992 = arith.mulf %get3A_986, %get3A_991 : vector<16xf32>
      %add3A_993 = arith.addf %add3A_981, %mul3A_992 : vector<16xf32>
      %add3A_994 = arith.constant 15 : i32
      %add3A_995 = arith.addi %mul3A_148, %add3A_994 : i32
      %get3A_996 = arith.index_cast %add3A_995 : i32 to index
      %get3A_997 = arith.constant 48 : index
      %get3A_998 = tpu.vector_load %arg8[%get3A_996, %get3A_997] {strides = array<i32>} : memref<384x64xf32, #tpu.memory_space<vmem>>, vector<16xf32>,
      %add3A_999 = arith.constant 15 : i32
      %add3A_1000 = arith.addi %mul3A_148, %add3A_999 : i32
      %get3A_1001 = arith.index_cast %add3A_1000 : i32 to index
      %get3A_1002 = arith.constant 48 : index
      %get3A_1003 = tpu.vector_load %arg9[%get3A_1001, %get3A_1002] {strides = array<i32>} : memref<384x64xf32, #tpu.memory_space<vmem>>, vector<16xf32>,
      %mul3A_1004 = arith.mulf %get3A_998, %get3A_1003 : vector<16xf32>
      %add3A_1005 = arith.addf %add3A_993, %mul3A_1004 : vector<16xf32>
      %swap3A_1006 = arith.constant 15 : i32
      %swap3A_1007 = arith.index_cast %swap3A_1006 : i32 to index
      %swap3A_1008 = arith.constant 0 : index
      %swap3A_1009 = tpu.vector_load %arg11[%swap3A_1007, %swap3A_1008] {strides = array<i32>} : memref<16x17xf32, #tpu.memory_space<vmem>>, vector<16xf32>,
      tpu.vector_store %arg11[%swap3A_1007, %swap3A_1008], %add3A_1005 {strides = array<i32>} : memref<16x17xf32, #tpu.memory_space<vmem>>, vector<16xf32>,
      %broadcast_in_dim3A_1010 = arith.constant 0.000000e+00 : f32
      %broadcast_in_dim3A_1011 = vector.broadcast %broadcast_in_dim3A_1010 : f32 to vector<16xf32>
      %broadcast_in_dim3A_1012 = arith.constant 0 : i32
      %broadcast_in_dim3A_1013 = vector.broadcast %broadcast_in_dim3A_1012 : i32 to vector<16xi32>
      %gather3A = tpu.vector_load_idx %arg11[%iota3A, %broadcast_in_dim3A_1013] : memref<16x17xf32, #tpu.memory_space<vmem>>[vector<16xi32>, vector<16xi32>], vector<16xf32>,
      %add3A_1014 = arith.addf %broadcast_in_dim3A_1011, %gather3A : vector<16xf32>
      %broadcast_in_dim3A_1015 = arith.constant 1 : i32
      %broadcast_in_dim3A_1016 = vector.broadcast %broadcast_in_dim3A_1015 : i32 to vector<16xi32>
      %gather3A_1017 = tpu.vector_load_idx %arg11[%iota3A, %broadcast_in_dim3A_1016] : memref<16x17xf32, #tpu.memory_space<vmem>>[vector<16xi32>, vector<16xi32>], vector<16xf32>,
      %add3A_1018 = arith.addf %add3A_1014, %gather3A_1017 : vector<16xf32>
      %broadcast_in_dim3A_1019 = arith.constant 2 : i32
      %broadcast_in_dim3A_1020 = vector.broadcast %broadcast_in_dim3A_1019 : i32 to vector<16xi32>
      %gather3A_1021 = tpu.vector_load_idx %arg11[%iota3A, %broadcast_in_dim3A_1020] : memref<16x17xf32, #tpu.memory_space<vmem>>[vector<16xi32>, vector<16xi32>], vector<16xf32>,
      %add3A_1022 = arith.addf %add3A_1018, %gather3A_1021 : vector<16xf32>
      %broadcast_in_dim3A_1023 = arith.constant 3 : i32
      %broadcast_in_dim3A_1024 = vector.broadcast %broadcast_in_dim3A_1023 : i32 to vector<16xi32>
      %gather3A_1025 = tpu.vector_load_idx %arg11[%iota3A, %broadcast_in_dim3A_1024] : memref<16x17xf32, #tpu.memory_space<vmem>>[vector<16xi32>, vector<16xi32>], vector<16xf32>,
      %add3A_1026 = arith.addf %add3A_1022, %gather3A_1025 : vector<16xf32>
      %broadcast_in_dim3A_1027 = arith.constant 4 : i32
      %broadcast_in_dim3A_1028 = vector.broadcast %broadcast_in_dim3A_1027 : i32 to vector<16xi32>
      %gather3A_1029 = tpu.vector_load_idx %arg11[%iota3A, %broadcast_in_dim3A_1028] : memref<16x17xf32, #tpu.memory_space<vmem>>[vector<16xi32>, vector<16xi32>], vector<16xf32>,
      %add3A_1030 = arith.addf %add3A_1026, %gather3A_1029 : vector<16xf32>
      %broadcast_in_dim3A_1031 = arith.constant 5 : i32
      %broadcast_in_dim3A_1032 = vector.broadcast %broadcast_in_dim3A_1031 : i32 to vector<16xi32>
      %gather3A_1033 = tpu.vector_load_idx %arg11[%iota3A, %broadcast_in_dim3A_1032] : memref<16x17xf32, #tpu.memory_space<vmem>>[vector<16xi32>, vector<16xi32>], vector<16xf32>,
      %add3A_1034 = arith.addf %add3A_1030, %gather3A_1033 : vector<16xf32>
      %broadcast_in_dim3A_1035 = arith.constant 6 : i32
      %broadcast_in_dim3A_1036 = vector.broadcast %broadcast_in_dim3A_1035 : i32 to vector<16xi32>
      %gather3A_1037 = tpu.vector_load_idx %arg11[%iota3A, %broadcast_in_dim3A_1036] : memref<16x17xf32, #tpu.memory_space<vmem>>[vector<16xi32>, vector<16xi32>], vector<16xf32>,
      %add3A_1038 = arith.addf %add3A_1034, %gather3A_1037 : vector<16xf32>
      %broadcast_in_dim3A_1039 = arith.constant 7 : i32
      %broadcast_in_dim3A_1040 = vector.broadcast %broadcast_in_dim3A_1039 : i32 to vector<16xi32>
      %gather3A_1041 = tpu.vector_load_idx %arg11[%iota3A, %broadcast_in_dim3A_1040] : memref<16x17xf32, #tpu.memory_space<vmem>>[vector<16xi32>, vector<16xi32>], vector<16xf32>,
      %add3A_1042 = arith.addf %add3A_1038, %gather3A_1041 : vector<16xf32>
      %broadcast_in_dim3A_1043 = arith.constant 8 : i32
      %broadcast_in_dim3A_1044 = vector.broadcast %broadcast_in_dim3A_1043 : i32 to vector<16xi32>
      %gather3A_1045 = tpu.vector_load_idx %arg11[%iota3A, %broadcast_in_dim3A_1044] : memref<16x17xf32, #tpu.memory_space<vmem>>[vector<16xi32>, vector<16xi32>], vector<16xf32>,
      %add3A_1046 = arith.addf %add3A_1042, %gather3A_1045 : vector<16xf32>
      %broadcast_in_dim3A_1047 = arith.constant 9 : i32
      %broadcast_in_dim3A_1048 = vector.broadcast %broadcast_in_dim3A_1047 : i32 to vector<16xi32>
      %gather3A_1049 = tpu.vector_load_idx %arg11[%iota3A, %broadcast_in_dim3A_1048] : memref<16x17xf32, #tpu.memory_space<vmem>>[vector<16xi32>, vector<16xi32>], vector<16xf32>,
      %add3A_1050 = arith.addf %add3A_1046, %gather3A_1049 : vector<16xf32>
      %broadcast_in_dim3A_1051 = arith.constant 10 : i32
      %broadcast_in_dim3A_1052 = vector.broadcast %broadcast_in_dim3A_1051 : i32 to vector<16xi32>
      %gather3A_1053 = tpu.vector_load_idx %arg11[%iota3A, %broadcast_in_dim3A_1052] : memref<16x17xf32, #tpu.memory_space<vmem>>[vector<16xi32>, vector<16xi32>], vector<16xf32>,
      %add3A_1054 = arith.addf %add3A_1050, %gather3A_1053 : vector<16xf32>
      %broadcast_in_dim3A_1055 = arith.constant 11 : i32
      %broadcast_in_dim3A_1056 = vector.broadcast %broadcast_in_dim3A_1055 : i32 to vector<16xi32>
      %gather3A_1057 = tpu.vector_load_idx %arg11[%iota3A, %broadcast_in_dim3A_1056] : memref<16x17xf32, #tpu.memory_space<vmem>>[vector<16xi32>, vector<16xi32>], vector<16xf32>,
      %add3A_1058 = arith.addf %add3A_1054, %gather3A_1057 : vector<16xf32>
      %broadcast_in_dim3A_1059 = arith.constant 12 : i32
      %broadcast_in_dim3A_1060 = vector.broadcast %broadcast_in_dim3A_1059 : i32 to vector<16xi32>
      %gather3A_1061 = tpu.vector_load_idx %arg11[%iota3A, %broadcast_in_dim3A_1060] : memref<16x17xf32, #tpu.memory_space<vmem>>[vector<16xi32>, vector<16xi32>], vector<16xf32>,
      %add3A_1062 = arith.addf %add3A_1058, %gather3A_1061 : vector<16xf32>
      %broadcast_in_dim3A_1063 = arith.constant 13 : i32
      %broadcast_in_dim3A_1064 = vector.broadcast %broadcast_in_dim3A_1063 : i32 to vector<16xi32>
      %gather3A_1065 = tpu.vector_load_idx %arg11[%iota3A, %broadcast_in_dim3A_1064] : memref<16x17xf32, #tpu.memory_space<vmem>>[vector<16xi32>, vector<16xi32>], vector<16xf32>,
      %add3A_1066 = arith.addf %add3A_1062, %gather3A_1065 : vector<16xf32>
      %broadcast_in_dim3A_1067 = arith.constant 14 : i32
      %broadcast_in_dim3A_1068 = vector.broadcast %broadcast_in_dim3A_1067 : i32 to vector<16xi32>
      %gather3A_1069 = tpu.vector_load_idx %arg11[%iota3A, %broadcast_in_dim3A_1068] : memref<16x17xf32, #tpu.memory_space<vmem>>[vector<16xi32>, vector<16xi32>], vector<16xf32>,
      %add3A_1070 = arith.addf %add3A_1066, %gather3A_1069 : vector<16xf32>
      %broadcast_in_dim3A_1071 = arith.constant 15 : i32
      %broadcast_in_dim3A_1072 = vector.broadcast %broadcast_in_dim3A_1071 : i32 to vector<16xi32>
      %gather3A_1073 = tpu.vector_load_idx %arg11[%iota3A, %broadcast_in_dim3A_1072] : memref<16x17xf32, #tpu.memory_space<vmem>>[vector<16xi32>, vector<16xi32>], vector<16xf32>,
      %add3A_1074 = arith.addf %add3A_1070, %gather3A_1073 : vector<16xf32>
      %swap3A_1075 = arith.index_cast %mul3A_148 : i32 to index
      %swap3A_1076 = tpu.vector_load %arg10[%swap3A_1075] {strides = array<i32>} : memref<320xf32, #tpu.memory_space<vmem>>, vector<16xf32>,
      tpu.vector_store %arg10[%swap3A_1075], %add3A_1074 {strides = array<i32>} : memref<320xf32, #tpu.memory_space<vmem>>, vector<16xf32>,
    }
    %scan3A_145 = arith.constant 20 : i32
    "tpu.trace_stop"() : () -> ()
    "tpu.region"() ({
      %run_scoped3A = tpu.sem_alloc : memref<!tpu.dma_semaphore, #tpu.memory_space<semaphore_mem>>
      %dma_start3A_146 = tpu.memref_slice %arg4[%mul3A_2] : memref<10240xf32, #tpu.memory_space<hbm>> -> memref<320xf32, #tpu.memory_space<hbm>>
      %dma_start3A_147 = tpu.memref_slice %arg4[%mul3A_2] : memref<10240xf32, #tpu.memory_space<hbm>> -> memref<320xf32, #tpu.memory_space<hbm>>
      tpu.enqueue_dma source(%arg10 : memref<320xf32, #tpu.memory_space<vmem>>) target(%dma_start3A_147 : memref<320xf32, #tpu.memory_space<hbm>>) target_semaphore(%run_scoped3A : memref<!tpu.dma_semaphore, #tpu.memory_space<semaphore_mem>>)
      %dma_wait3A_148 = tpu.memref_slice %arg4[%mul3A_2] : memref<10240xf32, #tpu.memory_space<hbm>> -> memref<320xf32, #tpu.memory_space<hbm>>
      %dma_wait3A_149 = tpu.memref_slice %arg4[%mul3A_2] : memref<10240xf32, #tpu.memory_space<hbm>> -> memref<320xf32, #tpu.memory_space<hbm>>
      tpu.wait_dma2 semaphore(%run_scoped3A : memref<!tpu.dma_semaphore, #tpu.memory_space<semaphore_mem>>) src(%arg10 : memref<320xf32, #tpu.memory_space<vmem>>) dst(%dma_wait3A_149 : memref<320xf32, #tpu.memory_space<hbm>>)
      tpu.yield
    }) : () -> ()
    return
  }
}

module attributes {stable_mosaic.version = 14 : i64} {
  func.func @body(%arg0: i32, %arg1: memref<16384x128xf32, #tpu.memory_space<hbm>>, %arg2: memref<128x1xf32, #tpu.memory_space<vmem>>, %arg3: memref<32x128xf32, #tpu.memory_space<vmem>>, %arg4: memref<128x128xf32, #tpu.memory_space<vmem>>, %arg5: memref<2x4096x128xf32, #tpu.memory_space<vmem>>, %arg6: memref<2x!tpu.dma_semaphore, #tpu.memory_space<semaphore_mem>>) attributes {dimension_semantics = [#tpu.dimension_semantics<arbitrary>], iteration_bounds = array<i64: 4>, scalar_prefetch = 0 : i64, scratch_operands = 2 : i64, tpu.core_type = #tpu.core_type<tc>, window_params = [{}, {pipeline_mode = #tpu.pipeline_mode<synchronous>, transform_indices = @transform_1, window_bounds = array<i64: 128, 1>}, {transform_indices = @transform_2, window_bounds = array<i64: 32, 128>}, {pipeline_mode = #tpu.pipeline_mode<synchronous>, transform_indices = @transform_3, window_bounds = array<i64: 128, 128>}]} {
    %iota3A = tpu.iota {dimensions = array<i32: 0>} : vector<128x128xi32>
    %iota3A_0 = tpu.iota {dimensions = array<i32: 1>} : vector<128x128xi32>
    %eq3A = arith.cmpi eq, %iota3A, %iota3A_0 : vector<128x128xi32>
    %jit3A = arith.constant 1.000000e+00 : f32
    %jit3A_1 = arith.constant 0.000000e+00 : f32
    %broadcast_in_dim3A = vector.broadcast %jit3A : f32 to vector<128x128xf32>
    %broadcast_in_dim3A_2 = vector.broadcast %jit3A_1 : f32 to vector<128x128xf32>
    %select_n3A = arith.select %eq3A, %broadcast_in_dim3A, %broadcast_in_dim3A_2 : vector<128x128xi1>, vector<128x128xf32>
    %rem3A = arith.constant 2 : i32
    %rem3A_3 = arith.remsi %arg0, %rem3A : i32
    %add3A = arith.constant 1 : i32
    %add3A_4 = arith.addi %arg0, %add3A : i32
    %rem3A_5 = arith.constant 2 : i32
    %rem3A_6 = arith.remsi %add3A_4, %rem3A_5 : i32
    %eq3A_7 = arith.constant 0 : i32
    %eq3A_8 = arith.cmpi eq, %arg0, %eq3A_7 : i32
    %convert_element_type3A = arith.extui %eq3A_8 : i1 to i32
    %cond3A = arith.constant 0 : i32
    %cond3A_9 = arith.cmpi ne, %convert_element_type3A, %cond3A : i32
    scf.if %cond3A_9 {
      %broadcast_in_dim3A_86 = arith.constant 0.000000e+00 : f32
      %broadcast_in_dim3A_87 = vector.broadcast %broadcast_in_dim3A_86 : f32 to vector<128x128xf32>
      %swap3A_88 = arith.constant 0 : index
      %swap3A_89 = arith.constant 0 : index
      %swap3A_90 = vector.load %arg4[%swap3A_88, %swap3A_89] : memref<128x128xf32, #tpu.memory_space<vmem>>, vector<128x128xf32>
      tpu.vector_store %arg4[%swap3A_88, %swap3A_89], %broadcast_in_dim3A_87 {strides = array<i32>} : memref<128x128xf32, #tpu.memory_space<vmem>>, vector<128x128xf32>,
      %dma_start3A = arith.constant 0 : i32
      %dma_start3A_91 = arith.constant 0 : i32
      %dma_start3A_92 = tpu.memref_slice %arg6[%dma_start3A_91] : memref<2x!tpu.dma_semaphore, #tpu.memory_space<semaphore_mem>> -> memref<1x!tpu.dma_semaphore, #tpu.memory_space<semaphore_mem>>
      %dma_start3A_93 = tpu.memref_squeeze %dma_start3A_92 : memref<1x!tpu.dma_semaphore, #tpu.memory_space<semaphore_mem>> -> memref<!tpu.dma_semaphore, #tpu.memory_space<semaphore_mem>>
      %dma_start3A_94 = arith.constant 0 : i32
      %dma_start3A_95 = arith.constant 0 : i32
      %dma_start3A_96 = tpu.memref_slice %arg5[%dma_start3A, %dma_start3A_94, %dma_start3A_95] : memref<2x4096x128xf32, #tpu.memory_space<vmem>> -> memref<1x4096x128xf32, #tpu.memory_space<vmem>>
      %dma_start3A_97 = tpu.memref_squeeze %dma_start3A_96 : memref<1x4096x128xf32, #tpu.memory_space<vmem>> -> memref<4096x128xf32, #tpu.memory_space<vmem>>
      %dma_start3A_98 = arith.constant 0 : i32
      %dma_start3A_99 = arith.constant 0 : i32
      %dma_start3A_100 = tpu.memref_slice %arg1[%dma_start3A_98, %dma_start3A_99] : memref<16384x128xf32, #tpu.memory_space<hbm>> -> memref<4096x128xf32, #tpu.memory_space<hbm>>
      tpu.enqueue_dma source(%dma_start3A_100 : memref<4096x128xf32, #tpu.memory_space<hbm>>) target(%dma_start3A_97 : memref<4096x128xf32, #tpu.memory_space<vmem>>) target_semaphore(%dma_start3A_93 : memref<!tpu.dma_semaphore, #tpu.memory_space<semaphore_mem>>)
    } else {
    }
    %add3A_10 = arith.constant 1 : i32
    %add3A_11 = arith.addi %arg0, %add3A_10 : i32
    %lt3A = arith.constant 4 : i32
    %lt3A_12 = arith.cmpi slt, %add3A_11, %lt3A : i32
    %convert_element_type3A_13 = arith.extui %lt3A_12 : i1 to i32
    %cond3A_14 = arith.constant 0 : i32
    %cond3A_15 = arith.cmpi ne, %convert_element_type3A_13, %cond3A_14 : i32
    scf.if %cond3A_15 {
      %add3A_86 = arith.constant 1 : i32
      %add3A_87 = arith.addi %arg0, %add3A_86 : i32
      %mul3A = arith.constant 4096 : i32
      %mul3A_88 = arith.muli %add3A_87, %mul3A : i32
      %dma_start3A = tpu.memref_slice %arg6[%rem3A_6] : memref<2x!tpu.dma_semaphore, #tpu.memory_space<semaphore_mem>> -> memref<1x!tpu.dma_semaphore, #tpu.memory_space<semaphore_mem>>
      %dma_start3A_89 = tpu.memref_squeeze %dma_start3A : memref<1x!tpu.dma_semaphore, #tpu.memory_space<semaphore_mem>> -> memref<!tpu.dma_semaphore, #tpu.memory_space<semaphore_mem>>
      %dma_start3A_90 = arith.constant 0 : i32
      %dma_start3A_91 = arith.constant 0 : i32
      %dma_start3A_92 = tpu.memref_slice %arg5[%rem3A_6, %dma_start3A_90, %dma_start3A_91] : memref<2x4096x128xf32, #tpu.memory_space<vmem>> -> memref<1x4096x128xf32, #tpu.memory_space<vmem>>
      %dma_start3A_93 = tpu.memref_squeeze %dma_start3A_92 : memref<1x4096x128xf32, #tpu.memory_space<vmem>> -> memref<4096x128xf32, #tpu.memory_space<vmem>>
      %dma_start3A_94 = arith.constant 0 : i32
      %dma_start3A_95 = tpu.memref_slice %arg1[%mul3A_88, %dma_start3A_94] : memref<16384x128xf32, #tpu.memory_space<hbm>> -> memref<4096x128xf32, #tpu.memory_space<hbm>>
      tpu.enqueue_dma source(%dma_start3A_95 : memref<4096x128xf32, #tpu.memory_space<hbm>>) target(%dma_start3A_93 : memref<4096x128xf32, #tpu.memory_space<vmem>>) target_semaphore(%dma_start3A_89 : memref<!tpu.dma_semaphore, #tpu.memory_space<semaphore_mem>>)
    } else {
    }
    %dma_wait3A = tpu.memref_slice %arg6[%rem3A_3] : memref<2x!tpu.dma_semaphore, #tpu.memory_space<semaphore_mem>> -> memref<1x!tpu.dma_semaphore, #tpu.memory_space<semaphore_mem>>
    %dma_wait3A_16 = tpu.memref_squeeze %dma_wait3A : memref<1x!tpu.dma_semaphore, #tpu.memory_space<semaphore_mem>> -> memref<!tpu.dma_semaphore, #tpu.memory_space<semaphore_mem>>
    %dma_wait3A_17 = arith.constant 0 : i32
    %dma_wait3A_18 = arith.constant 0 : i32
    %dma_wait3A_19 = tpu.memref_slice %arg5[%rem3A_3, %dma_wait3A_17, %dma_wait3A_18] : memref<2x4096x128xf32, #tpu.memory_space<vmem>> -> memref<1x4096x128xf32, #tpu.memory_space<vmem>>
    %dma_wait3A_20 = tpu.memref_squeeze %dma_wait3A_19 : memref<1x4096x128xf32, #tpu.memory_space<vmem>> -> memref<4096x128xf32, #tpu.memory_space<vmem>>
    %dma_wait3A_21 = arith.constant 0 : i32
    %dma_wait3A_22 = arith.constant 0 : i32
    %dma_wait3A_23 = tpu.memref_slice %arg1[%dma_wait3A_21, %dma_wait3A_22] : memref<16384x128xf32, #tpu.memory_space<hbm>> -> memref<4096x128xf32, #tpu.memory_space<hbm>>
    tpu.wait_dma2 semaphore(%dma_wait3A_16 : memref<!tpu.dma_semaphore, #tpu.memory_space<semaphore_mem>>) src(%dma_wait3A_23 : memref<4096x128xf32, #tpu.memory_space<hbm>>) dst(%dma_wait3A_20 : memref<4096x128xf32, #tpu.memory_space<vmem>>)
    %get3A = arith.index_cast %rem3A_3 : i32 to index
    %get3A_24 = arith.constant 0 : index
    %get3A_25 = arith.constant 0 : index
    %get3A_26 = vector.load %arg5[%get3A, %get3A_24, %get3A_25] : memref<2x4096x128xf32, #tpu.memory_space<vmem>>, vector<1x4096x128xf32>
    %get3A_27 = vector.shape_cast %get3A_26 : vector<1x4096x128xf32> to vector<4096x128xf32>
    %get3A_28 = arith.constant 0 : index
    %get3A_29 = arith.constant 0 : index
    %get3A_30 = vector.load %arg4[%get3A_28, %get3A_29] : memref<128x128xf32, #tpu.memory_space<vmem>>, vector<128x128xf32>
    %dot_general3A = arith.constant dense<0.000000e+00> : vector<128x128xf32>
    %dot_general3A_31 = tpu.matmul %get3A_27, %get3A_27, %dot_general3A {dimension_numbers = #tpu.dot_dimension_numbers<[0], [0], [1], [1], [0, 1, 1, 1], [], []>, transpose_lhs_hint = true} : vector<4096x128xf32>, vector<4096x128xf32>, vector<128x128xf32> -> vector<128x128xf32>
    %add3A_32 = arith.addf %get3A_30, %dot_general3A_31 : vector<128x128xf32>
    %swap3A = arith.constant 0 : index
    %swap3A_33 = arith.constant 0 : index
    %swap3A_34 = vector.load %arg4[%swap3A, %swap3A_33] : memref<128x128xf32, #tpu.memory_space<vmem>>, vector<128x128xf32>
    tpu.vector_store %arg4[%swap3A, %swap3A_33], %add3A_32 {strides = array<i32>} : memref<128x128xf32, #tpu.memory_space<vmem>>, vector<128x128xf32>,
    %get3A_35 = arith.constant 0 : index
    %get3A_36 = arith.constant 0 : index
    %get3A_37 = vector.load %arg2[%get3A_35, %get3A_36] : memref<128x1xf32, #tpu.memory_space<vmem>>, vector<128x1xf32>
    %dot_general3A_38 = arith.constant dense<0.000000e+00> : vector<4096x1xf32>
    %dot_general3A_39 = tpu.matmul %get3A_27, %get3A_37, %dot_general3A_38 {dimension_numbers = #tpu.dot_dimension_numbers<[1], [0], [0], [1], [0, 0, 1, 1], [], []>, transpose_lhs_hint = false} : vector<4096x128xf32>, vector<128x1xf32>, vector<4096x1xf32> -> vector<4096x1xf32>
    %slice3A = vector.extract_strided_slice %dot_general3A_39 {offsets = [0, 0], sizes = [128, 1], strides = [1, 1]} : vector<4096x1xf32> to vector<128x1xf32>
    %slice3A_40 = vector.extract_strided_slice %dot_general3A_39 {offsets = [128, 0], sizes = [128, 1], strides = [1, 1]} : vector<4096x1xf32> to vector<128x1xf32>
    %slice3A_41 = vector.extract_strided_slice %dot_general3A_39 {offsets = [256, 0], sizes = [128, 1], strides = [1, 1]} : vector<4096x1xf32> to vector<128x1xf32>
    %slice3A_42 = vector.extract_strided_slice %dot_general3A_39 {offsets = [384, 0], sizes = [128, 1], strides = [1, 1]} : vector<4096x1xf32> to vector<128x1xf32>
    %slice3A_43 = vector.extract_strided_slice %dot_general3A_39 {offsets = [512, 0], sizes = [128, 1], strides = [1, 1]} : vector<4096x1xf32> to vector<128x1xf32>
    %slice3A_44 = vector.extract_strided_slice %dot_general3A_39 {offsets = [640, 0], sizes = [128, 1], strides = [1, 1]} : vector<4096x1xf32> to vector<128x1xf32>
    %slice3A_45 = vector.extract_strided_slice %dot_general3A_39 {offsets = [768, 0], sizes = [128, 1], strides = [1, 1]} : vector<4096x1xf32> to vector<128x1xf32>
    %slice3A_46 = vector.extract_strided_slice %dot_general3A_39 {offsets = [896, 0], sizes = [128, 1], strides = [1, 1]} : vector<4096x1xf32> to vector<128x1xf32>
    %slice3A_47 = vector.extract_strided_slice %dot_general3A_39 {offsets = [1024, 0], sizes = [128, 1], strides = [1, 1]} : vector<4096x1xf32> to vector<128x1xf32>
    %slice3A_48 = vector.extract_strided_slice %dot_general3A_39 {offsets = [1152, 0], sizes = [128, 1], strides = [1, 1]} : vector<4096x1xf32> to vector<128x1xf32>
    %slice3A_49 = vector.extract_strided_slice %dot_general3A_39 {offsets = [1280, 0], sizes = [128, 1], strides = [1, 1]} : vector<4096x1xf32> to vector<128x1xf32>
    %slice3A_50 = vector.extract_strided_slice %dot_general3A_39 {offsets = [1408, 0], sizes = [128, 1], strides = [1, 1]} : vector<4096x1xf32> to vector<128x1xf32>
    %slice3A_51 = vector.extract_strided_slice %dot_general3A_39 {offsets = [1536, 0], sizes = [128, 1], strides = [1, 1]} : vector<4096x1xf32> to vector<128x1xf32>
    %slice3A_52 = vector.extract_strided_slice %dot_general3A_39 {offsets = [1664, 0], sizes = [128, 1], strides = [1, 1]} : vector<4096x1xf32> to vector<128x1xf32>
    %slice3A_53 = vector.extract_strided_slice %dot_general3A_39 {offsets = [1792, 0], sizes = [128, 1], strides = [1, 1]} : vector<4096x1xf32> to vector<128x1xf32>
    %slice3A_54 = vector.extract_strided_slice %dot_general3A_39 {offsets = [1920, 0], sizes = [128, 1], strides = [1, 1]} : vector<4096x1xf32> to vector<128x1xf32>
    %slice3A_55 = vector.extract_strided_slice %dot_general3A_39 {offsets = [2048, 0], sizes = [128, 1], strides = [1, 1]} : vector<4096x1xf32> to vector<128x1xf32>
    %slice3A_56 = vector.extract_strided_slice %dot_general3A_39 {offsets = [2176, 0], sizes = [128, 1], strides = [1, 1]} : vector<4096x1xf32> to vector<128x1xf32>
    %slice3A_57 = vector.extract_strided_slice %dot_general3A_39 {offsets = [2304, 0], sizes = [128, 1], strides = [1, 1]} : vector<4096x1xf32> to vector<128x1xf32>
    %slice3A_58 = vector.extract_strided_slice %dot_general3A_39 {offsets = [2432, 0], sizes = [128, 1], strides = [1, 1]} : vector<4096x1xf32> to vector<128x1xf32>
    %slice3A_59 = vector.extract_strided_slice %dot_general3A_39 {offsets = [2560, 0], sizes = [128, 1], strides = [1, 1]} : vector<4096x1xf32> to vector<128x1xf32>
    %slice3A_60 = vector.extract_strided_slice %dot_general3A_39 {offsets = [2688, 0], sizes = [128, 1], strides = [1, 1]} : vector<4096x1xf32> to vector<128x1xf32>
    %slice3A_61 = vector.extract_strided_slice %dot_general3A_39 {offsets = [2816, 0], sizes = [128, 1], strides = [1, 1]} : vector<4096x1xf32> to vector<128x1xf32>
    %slice3A_62 = vector.extract_strided_slice %dot_general3A_39 {offsets = [2944, 0], sizes = [128, 1], strides = [1, 1]} : vector<4096x1xf32> to vector<128x1xf32>
    %slice3A_63 = vector.extract_strided_slice %dot_general3A_39 {offsets = [3072, 0], sizes = [128, 1], strides = [1, 1]} : vector<4096x1xf32> to vector<128x1xf32>
    %slice3A_64 = vector.extract_strided_slice %dot_general3A_39 {offsets = [3200, 0], sizes = [128, 1], strides = [1, 1]} : vector<4096x1xf32> to vector<128x1xf32>
    %slice3A_65 = vector.extract_strided_slice %dot_general3A_39 {offsets = [3328, 0], sizes = [128, 1], strides = [1, 1]} : vector<4096x1xf32> to vector<128x1xf32>
    %slice3A_66 = vector.extract_strided_slice %dot_general3A_39 {offsets = [3456, 0], sizes = [128, 1], strides = [1, 1]} : vector<4096x1xf32> to vector<128x1xf32>
    %slice3A_67 = vector.extract_strided_slice %dot_general3A_39 {offsets = [3584, 0], sizes = [128, 1], strides = [1, 1]} : vector<4096x1xf32> to vector<128x1xf32>
    %slice3A_68 = vector.extract_strided_slice %dot_general3A_39 {offsets = [3712, 0], sizes = [128, 1], strides = [1, 1]} : vector<4096x1xf32> to vector<128x1xf32>
    %slice3A_69 = vector.extract_strided_slice %dot_general3A_39 {offsets = [3840, 0], sizes = [128, 1], strides = [1, 1]} : vector<4096x1xf32> to vector<128x1xf32>
    %slice3A_70 = vector.extract_strided_slice %dot_general3A_39 {offsets = [3968, 0], sizes = [128, 1], strides = [1, 1]} : vector<4096x1xf32> to vector<128x1xf32>
    %concatenate3A = tpu.concatenate %slice3A, %slice3A_40, %slice3A_41, %slice3A_42, %slice3A_43, %slice3A_44, %slice3A_45, %slice3A_46 in 1 : vector<128x1xf32>, vector<128x1xf32>, vector<128x1xf32>, vector<128x1xf32>, vector<128x1xf32>, vector<128x1xf32>, vector<128x1xf32>, vector<128x1xf32> -> vector<128x8xf32>
    %dot_general3A_71 = arith.constant dense<0.000000e+00> : vector<8x128xf32>
    %dot_general3A_72 = tpu.matmul %concatenate3A, %select_n3A, %dot_general3A_71 {dimension_numbers = #tpu.dot_dimension_numbers<[0], [0], [1], [1], [0, 1, 1, 1], [], []>, transpose_lhs_hint = true} : vector<128x8xf32>, vector<128x128xf32>, vector<8x128xf32> -> vector<8x128xf32>
    %concatenate3A_73 = tpu.concatenate %slice3A_47, %slice3A_48, %slice3A_49, %slice3A_50, %slice3A_51, %slice3A_52, %slice3A_53, %slice3A_54 in 1 : vector<128x1xf32>, vector<128x1xf32>, vector<128x1xf32>, vector<128x1xf32>, vector<128x1xf32>, vector<128x1xf32>, vector<128x1xf32>, vector<128x1xf32> -> vector<128x8xf32>
    %dot_general3A_74 = arith.constant dense<0.000000e+00> : vector<8x128xf32>
    %dot_general3A_75 = tpu.matmul %concatenate3A_73, %select_n3A, %dot_general3A_74 {dimension_numbers = #tpu.dot_dimension_numbers<[0], [0], [1], [1], [0, 1, 1, 1], [], []>, transpose_lhs_hint = true} : vector<128x8xf32>, vector<128x128xf32>, vector<8x128xf32> -> vector<8x128xf32>
    %concatenate3A_76 = tpu.concatenate %slice3A_55, %slice3A_56, %slice3A_57, %slice3A_58, %slice3A_59, %slice3A_60, %slice3A_61, %slice3A_62 in 1 : vector<128x1xf32>, vector<128x1xf32>, vector<128x1xf32>, vector<128x1xf32>, vector<128x1xf32>, vector<128x1xf32>, vector<128x1xf32>, vector<128x1xf32> -> vector<128x8xf32>
    %dot_general3A_77 = arith.constant dense<0.000000e+00> : vector<8x128xf32>
    %dot_general3A_78 = tpu.matmul %concatenate3A_76, %select_n3A, %dot_general3A_77 {dimension_numbers = #tpu.dot_dimension_numbers<[0], [0], [1], [1], [0, 1, 1, 1], [], []>, transpose_lhs_hint = true} : vector<128x8xf32>, vector<128x128xf32>, vector<8x128xf32> -> vector<8x128xf32>
    %concatenate3A_79 = tpu.concatenate %slice3A_63, %slice3A_64, %slice3A_65, %slice3A_66, %slice3A_67, %slice3A_68, %slice3A_69, %slice3A_70 in 1 : vector<128x1xf32>, vector<128x1xf32>, vector<128x1xf32>, vector<128x1xf32>, vector<128x1xf32>, vector<128x1xf32>, vector<128x1xf32>, vector<128x1xf32> -> vector<128x8xf32>
    %dot_general3A_80 = arith.constant dense<0.000000e+00> : vector<8x128xf32>
    %dot_general3A_81 = tpu.matmul %concatenate3A_79, %select_n3A, %dot_general3A_80 {dimension_numbers = #tpu.dot_dimension_numbers<[0], [0], [1], [1], [0, 1, 1, 1], [], []>, transpose_lhs_hint = true} : vector<128x8xf32>, vector<128x128xf32>, vector<8x128xf32> -> vector<8x128xf32>
    %concatenate3A_82 = tpu.concatenate %dot_general3A_72, %dot_general3A_75, %dot_general3A_78, %dot_general3A_81 in 0 : vector<8x128xf32>, vector<8x128xf32>, vector<8x128xf32>, vector<8x128xf32> -> vector<32x128xf32>
    %swap3A_83 = arith.constant 0 : index
    %swap3A_84 = arith.constant 0 : index
    %swap3A_85 = vector.load %arg3[%swap3A_83, %swap3A_84] : memref<32x128xf32, #tpu.memory_space<vmem>>, vector<32x128xf32>
    tpu.vector_store %arg3[%swap3A_83, %swap3A_84], %concatenate3A_82 {strides = array<i32>} : memref<32x128xf32, #tpu.memory_space<vmem>>, vector<32x128xf32>,
    return
  }
  func.func @transform_1(%arg0: i32) -> (i32, i32) {
    %c0_i32 = arith.constant 0 : i32
    %c0_i32_0 = arith.constant 0 : i32
    %c0_i32_1 = arith.constant 0 : i32
    return %c0_i32, %c0_i32_0 : i32, i32
  }
  func.func @transform_2(%arg0: i32) -> (i32, i32) {
    %c0_i32 = arith.constant 0 : i32
    %c0_i32_0 = arith.constant 0 : i32
    return %arg0, %c0_i32 : i32, i32
  }
  func.func @transform_3(%arg0: i32) -> (i32, i32) {
    %c0_i32 = arith.constant 0 : i32
    %c0_i32_0 = arith.constant 0 : i32
    %c0_i32_1 = arith.constant 0 : i32
    return %c0_i32, %c0_i32_0 : i32, i32
  }
}

module attributes {stable_mosaic.version = 14 : i64} {
  func.func @body(%arg0: memref<128x128xf32, #tpu.memory_space<vmem>>, %arg1: memref<100x100xf32, #tpu.memory_space<vmem>>, %arg2: memref<128x128xf32, #tpu.memory_space<vmem>>, %arg3: memref<1x1xf32, #tpu.memory_space<vmem>>, %arg4: memref<128x128xf32, #tpu.memory_space<vmem>>) attributes {dimension_semantics = [], scalar_prefetch = 0 : i64, scratch_operands = 0 : i64, tpu.core_type = #tpu.core_type<tc>} {
    %get3A = arith.constant 0 : index
    %get3A_0 = arith.constant 0 : index
    %get3A_1 = vector.load %arg1[%get3A, %get3A_0] : memref<100x100xf32, #tpu.memory_space<vmem>>, vector<100x100xf32>
    %get3A_2 = arith.constant 0 : index
    %get3A_3 = arith.constant 0 : index
    %get3A_4 = vector.load %arg2[%get3A_2, %get3A_3] : memref<128x128xf32, #tpu.memory_space<vmem>>, vector<100x100xf32>
    %iota3A = tpu.iota {dimensions = array<i32: 0>} : vector<100x100xi32>
    %iota3A_5 = tpu.iota {dimensions = array<i32: 1>} : vector<100x100xi32>
    %gt3A = arith.cmpi sgt, %iota3A_5, %iota3A : vector<100x100xi32>
    %mul3A = arith.mulf %get3A_1, %get3A_4 : vector<100x100xf32>
    %jit3A = arith.constant 0.000000e+00 : f32
    %broadcast_in_dim3A = vector.broadcast %jit3A : f32 to vector<100x100xf32>
    %select_n3A = arith.select %gt3A, %mul3A, %broadcast_in_dim3A : vector<100x100xi1>, vector<100x100xf32>
    %reduce_sum3A = vector.shape_cast %select_n3A : vector<100x100xf32> to vector<1x100x100xf32>
    %reduce_sum3A_6 = arith.constant dense<0.000000e+00> : vector<1xf32>
    %reduce_sum3A_7 = vector.multi_reduction <add>, %reduce_sum3A, %reduce_sum3A_6 [1, 2] : vector<1x100x100xf32> to vector<1xf32>
    %reduce_sum3A_8 = vector.shape_cast %reduce_sum3A_7 : vector<1xf32> to vector<1x1x1xf32>
    %reduce_sum3A_9 = vector.extract %reduce_sum3A_8[0, 0, 0] : f32 from vector<1x1x1xf32>
    %get3A_10 = arith.constant 0 : index
    %get3A_11 = arith.constant 0 : index
    %get3A_12 = vector.load %arg0[%get3A_10, %get3A_11] : memref<128x128xf32, #tpu.memory_space<vmem>>, vector<128x128xf32>
    %get3A_13 = arith.constant 0 : index
    %get3A_14 = arith.constant 0 : index
    %get3A_15 = vector.load %arg3[%get3A_13, %get3A_14] : memref<1x1xf32, #tpu.memory_space<vmem>>, vector<1x1xf32>
    %get3A_16 = vector.extract %get3A_15[0, 0] : f32 from vector<1x1xf32>
    %add3A = arith.addf %reduce_sum3A_9, %get3A_16 : f32
    %add3A_17 = vector.broadcast %add3A : f32 to vector<128x128xf32>
    %add3A_18 = arith.addf %get3A_12, %add3A_17 : vector<128x128xf32>
    %logistic3A = arith.negf %add3A_18 : vector<128x128xf32>
    %logistic3A_19 = math.exp %logistic3A : vector<128x128xf32>
    %logistic3A_20 = arith.constant 1.000000e+00 : f32
    %logistic3A_21 = vector.broadcast %logistic3A_20 : f32 to vector<128x128xf32>
    %logistic3A_22 = arith.addf %logistic3A_21, %logistic3A_19 : vector<128x128xf32>
    %logistic3A_23 = arith.divf %logistic3A_21, %logistic3A_22 : vector<128x128xf32>
    %swap3A = arith.constant 0 : index
    %swap3A_24 = arith.constant 0 : index
    %swap3A_25 = vector.load %arg4[%swap3A, %swap3A_24] : memref<128x128xf32, #tpu.memory_space<vmem>>, vector<128x128xf32>
    tpu.vector_store %arg4[%swap3A, %swap3A_24], %logistic3A_23 {strides = array<i32>} : memref<128x128xf32, #tpu.memory_space<vmem>>, vector<128x128xf32>,
    return
  }
}

</mosaic_0001>

<sc_bundles>
// kernel: kernel.5.cloned.1.call-start
scs
__scs_entry_jumppad:
0x0: {  	(pc) =	sbr.rel $0x88, $3  }
0x1: {  	(tag) =	ssettag $0x0;
	lr =	simm.s32 $0x1  }
0x2: {  	[smem:$0x3F9C] =	sst lr;
	_ =	strace $0xD0000000  }
0x3: {  	_ = 	snop  }
0x4: {  	_ = 	snop  }
0x5: {  	_ = 	snop  }
0x6: {  	_ = 	snop  }
0x7: {  	_ = 	snop  }
__scs_overlays_trampoline_lowered:
0x8: {  	[smem:$0x3FAB] =	sst s0  }
0x9: {  	[smem:$0x3FAC] =	sst s1  }
0xa: {  	[smem:$0x3FAD] =	sst s2  }
0xb: {  	[smem:$0x3FAE] =	sst s3  }
0xc: {  	[smem:$0x3FAF] =	sst s4  }
0xd: {  	[smem:$0x3FB0] =	sst s5  }
0xe: {  	[smem:$0x3FB1] =	sst s6  }
0xf: {  	[smem:$0x3FB2] =	sst s7  }
0x10: {  	[smem:$0x3FB3] =	sst s8  }
0x11: {  	[smem:$0x3FB4] =	sst s9;
	s0 =	simm.s32 @!p0 $0x0  }
0x12: {  	s1 =	sld [smem:$0x3F9A];
	s0 =	simm.s32 @p0 $0x1  }
0x13: {  	[smem:$0x3FB5] =	sst s0;
	s0 =	simm.s32 @!p1 $0x0  }
0x14: {  	s2 =	sld [smem:$0x3F99];
	s0 =	simm.s32 @p1 $0x1  }
0x15: {  	[smem:$0x3FB6] =	sst s0;
	s0 =	simm.s32 @!p2 $0x0  }
0x16: {  	s3 =	sld [smem:$0x3FDB];
	s0 =	simm.s32 @p2 $0x1  }
0x17: {  	s4 =	simm.s32 $0x1BF5;
	[smem:$0x3FB8] =	sst s0  }
0x18: {  	s0 =	sld [smem:$0x3F9B];
	_ =	swait.ge [sflag:s4], $0x0  }
0x19: {  	s7 =	sld [smem:$0x3F9C]  }
0x1a: {  	s8 =	sadd.s32 $0xFFFFE003, lr  }
0x1b: {  	s9 =	sadd.s32 $0xFFFFFEF7, lr;
	s5 =	simm.s32 $0xFFFFFFFF;
	p2 =	slt.u32 s8, $0xFFFFF086  }
0x1c: {  	p1 =	slt.u32 s9, $0xF7A;
	s5 =	simm.s32 @!p2 $0x0  }
0x1d: {  	s5 =	simm.s32 @p1 $0x1;
	p0 =	seq.s32 s7, s2  }
0x1e: {  	s7 =	smul.u32 @!p0 $0xF7A, s2;
	p2 =	seq.s32 @!p0 s5, $0x0  }
0x1f: {  	s9 =	smul.u32 $0xF7A, s1;
	s8 =	simm.s32 @!p0 $0x1BF5;
	p2 =	por !p2, p0  }
0x20: {  	[sflag:s8] =	ssyncset.s32 @!p0 $0xFFFFF086;
	s6 =	sadd.s32 @!p0 s3, s7;
	s7 =	simm.s32 @!p0 $0x108  }
0x21: {  	s3 =	sadd.s32 s3, s9;
	s6 =	sadd.s32 @!p0 $0x88, s6;
	s7 =	simm.s32 @p2 $0x1082  }
0x22: {  	[simem:s7], [sflag:s8] =	dma.local @!p0 [hbm:s6], $0xF7A  }
0x23: {  	s9 =	sor.u32 $0xD0000000, s2;
	s6 =	simm.s32 $0x108;
	_ =	swait.ge @!p0 [sflag:s8], $0x0  }
0x24: {  	s3 =	sadd.s32 $0x88, s3;
	s6 =	simm.s32 @!p1 $0x1082;
	[sflag:s4] =	ssyncset.s32 $0xFFFFF086  }
0x25: {  	[simem:s6], [sflag:s4] =	dma.local [hbm:s3], $0xF7A  }
0x26: {  	[smem:$0x3F9C] =	sst s1;
	(tag) =	ssettag s2;
	_ =	strace s9  }
0x27: {  	s1 =	sld [smem:$0x3FAC]  }
0x28: {  	s2 =	sld [smem:$0x3FAD]  }
0x29: {  	s4 =	sld [smem:$0x3FAF]  }
0x2a: {  	p0 =	seq.s32 s5, $0x0;
	s5 =	sld [smem:$0x3FB0]  }
0x2b: {  	s6 =	sld [smem:$0x3FB1]  }
0x2c: {  	s7 =	sld [smem:$0x3FB2]  }
0x2d: {  	s3 =	simm.s32 $0x108;
	s8 =	sld [smem:$0x3FB3]  }
0x2e: {  	s3 =	simm.s32 @!p0 $0x1082;
	s9 =	sld [smem:$0x3FB4]  }
0x2f: {  	lr =	sadd.s32 s0, s3;
	s0 =	sld [smem:$0x3FAB]  }
0x30: {  	s3 =	sld [smem:$0x3FAE]  }
0x31: {  	[smem:$0x3FB7] =	sst s10  }
0x32: {  	s10 =	sld [smem:$0x3FB5];
	_ =	sdelay $0x3  }
0x33: {  	p0 =	seq.s32 s10, $0x1;
	s10 =	sld [smem:$0x3FB7];
	_ =	sdelay $0x3  }
0x34: {  	[smem:$0x3FB7] =	sst s10  }
0x35: {  	s10 =	sld [smem:$0x3FB6];
	_ =	sdelay $0x3  }
0x36: {  	p1 =	seq.s32 s10, $0x1;
	s10 =	sld [smem:$0x3FB7];
	_ =	sdelay $0x3  }
0x37: {  	[smem:$0x3FB7] =	sst s10  }
0x38: {  	s10 =	sld [smem:$0x3FB8]  }
0x39: {  	_ = 	snop;
	(pc) =	sbr.ind lr, $3  }
0x3a: {  	_ = 	snop  }
0x3b: {  	_ = 	snop  }
0x3c: {  	p2 =	seq.s32 s10, $0x1;
	s10 =	sld [smem:$0x3FB7]  }
0x3d: {  	_ =	shalt  }
0x3e: {  	_ =	shalt  }
0x3f: {  	_ =	shalt  }
0x40: {  	_ =	shalt  }
0x41: {  	_ =	shalt  }
0x42: {  	_ =	shalt  }
0x43: {  	_ =	shalt  }
0x44: {  	_ =	shalt  }
0x45: {  	_ =	shalt  }
0x46: {  	_ =	shalt  }
0x47: {  	_ =	shalt  }
0x48: {  	_ =	shalt  }
0x49: {  	_ =	shalt  }
0x4a: {  	_ =	shalt  }
0x4b: {  	_ =	shalt  }
0x4c: {  	_ =	shalt  }
0x4d: {  	_ =	shalt  }
0x4e: {  	_ =	shalt  }
0x4f: {  	_ =	shalt  }
0x50: {  	_ =	shalt  }
0x51: {  	_ =	shalt  }
0x52: {  	_ =	shalt  }
0x53: {  	_ =	shalt  }
0x54: {  	_ =	shalt  }
0x55: {  	_ =	shalt  }
0x56: {  	_ =	shalt  }
0x57: {  	_ =	shalt  }
0x58: {  	_ =	shalt  }
0x59: {  	_ =	shalt  }
0x5a: {  	_ =	shalt  }
0x5b: {  	_ =	shalt  }
0x5c: {  	_ =	shalt  }
0x5d: {  	_ =	shalt  }
0x5e: {  	_ =	shalt  }
0x5f: {  	_ =	shalt  }
0x60: {  	_ =	shalt  }
0x61: {  	_ =	shalt  }
0x62: {  	_ =	shalt  }
0x63: {  	_ =	shalt  }
0x64: {  	_ =	shalt  }
0x65: {  	_ =	shalt  }
0x66: {  	_ =	shalt  }
0x67: {  	_ =	shalt  }
0x68: {  	_ =	shalt  }
0x69: {  	_ =	shalt  }
0x6a: {  	_ =	shalt  }
0x6b: {  	_ =	shalt  }
0x6c: {  	_ =	shalt  }
0x6d: {  	_ =	shalt  }
0x6e: {  	_ =	shalt  }
0x6f: {  	_ =	shalt  }
0x70: {  	_ =	shalt  }
0x71: {  	_ =	shalt  }
0x72: {  	_ =	shalt  }
0x73: {  	_ =	shalt  }
0x74: {  	_ =	shalt  }
0x75: {  	_ =	shalt  }
0x76: {  	_ =	shalt  }
0x77: {  	_ =	shalt  }
0x78: {  	_ =	shalt  }
0x79: {  	_ =	shalt  }
0x7a: {  	_ =	shalt  }
0x7b: {  	_ =	shalt  }
0x7c: {  	_ =	shalt  }
0x7d: {  	_ =	shalt  }
0x7e: {  	_ =	shalt  }
0x7f: {  	_ =	shalt  }
0x80: {  	_ =	shalt  }
0x81: {  	_ =	shalt  }
0x82: {  	_ =	shalt  }
0x83: {  	_ =	shalt  }
0x84: {  	_ =	shalt  }
0x85: {  	_ =	shalt  }
0x86: {  	_ =	shalt  }
0x87: {  	_ =	shalt  }
.Lfunc_end0:
.L_simem_size_0:
called_computation_lowered:
.L_overlay_start_0:
0x88: {  	s2 =	sld [smem:$0x3FD9]  }
0x89: {  	s3 =	sld [smem:$0x3FFE];
	_ =	sdelay $0x1  }
0x8a: {  	s1 =	srdreg.scid  }
0x8b: {  	s0 =	sand.u32 $0x1, s1  }
0x8c: {  	s17 =	sshll.u32 s0, $0xA;
	s2 =	sadd.s32 s3, s2  }
0x8d: {  	s2 =	sadd.s32 s2, s17  }
0x8e: {  	[smem:$0x3FC3] =	sst s2  }
0x8f: {  	_ = 	snop  }
0x90: {  	s2 =	sld [smem:$0x3FD0];
	(tm) =	ssettm $0x1  }
0x91: {  	s18 =	sld [smem:$0x3FFB];
	_ =	sdelay $0x3  }
0x92: {  	_ =	strace s18  }
0x93: {  	s3 =	sld [smem:$0x3FFC];
	_ =	sdelay $0x3  }
0x94: {  	_ =	strace s3  }
0x95: {  	s3 =	sld [smem:$0x3FFD];
	_ =	sdelay $0x3  }
0x96: {  	_ =	strace s3  }
0x97: {  	_ =	strace $0x8FFFFFFF  }
0x98: {  	s19 =	sld [smem:$0x3FDB];
	_ =	sdelay $0x1  }
0x99: {  	s4 =	simm.s32 $_scs_section_size  }
0x9a: {  	s5 =	simm.s32 $_size__tile_overlayer_lowered;
	s6 =	simm.s32 $_tile_overlayer_lowered  }
0x9b: {  	s22 =	simm.s32 $0x1BFF;
	s21 =	sshll.u32 s6, $0x1;
	s3 =	sadd.s32 s4, s19  }
0x9c: {  	s7 =	simm.s32 $0x0;
	s20 =	sshll.u32 s5, $0x1;
	s5 =	sadd.s32 s21, s3  }
0x9d: {  	[timem:s7], [sflag:s22] =	dma.local [hbm:s5], s20  }
0x9e: {  	_ =	swait.ge [sflag:s22], s20  }
0x9f: {  	s4 =	ssub.s32 $0x0, s20;
	[sflag:s22] =	ssyncset.done $0x0  }
0xa0: {  	[sflag:s22] =	ssyncadd.s32 s4;
	_ =	sdelay $0x1  }
0xa1: {  	s23 =	simm.s32 $0x1B8B  }
0xa2: {  	_ =	swait.ge [sflag:s23], $0x1  }
0xa3: {  	[sflag:s23] =	ssyncset.done $0x0  }
0xa4: {  	s25 =	simm.s32 $0x1B8E;
	s24 =	sld [smem:$0x3FFE];
	[sflag:s23] =	ssyncadd.s32 $0xFFFFFFFF  }
0xa5: {  	s26 =	simm.s32 $execute0_lowered;
	[smem:$0x3FD2] =	sst s25  }
0xa6: {  	s5 =	sshll.u32 s26, $0x1;
	_ =	strace $0x80000046;
	[dreg:$0x1] =	wrdreg $0xFFFFFFFF  }
0xa7: {  	s28 =	simm.s32 $_size_execute0_lowered;
	s3 =	sadd.s32 s3, s5;
	[dreg:$0x0] =	wrdreg $0x0  }
0xa8: {  	s5 =	sshll.u32 s28, $0x1;
	[dreg:$0x2] =	wrdreg s3  }
0xa9: {  	[dreg:$0x3] =	wrdreg s5  }
0xaa: {  	[dreg:$0x4] =	wrdreg $0xC0  }
0xab: {  	_ =	task [dreg:s7], $0x5FFFF  }
0xac: {  	[dreg:$0x1] =	wrdreg $0xFFFFFFFF  }
0xad: {  	[dreg:$0x0] =	wrdreg $0x60  }
0xae: {  	[dreg:$0x2] =	wrdreg s24  }
0xaf: {  	[dreg:$0x3] =	wrdreg s2  }
0xb0: {  	[dreg:$0x4] =	wrdreg $0xC6400  }
0xb1: {  	[dreg:$0x5] =	wrdreg $0x9  }
0xb2: {  	_ =	task.clear_ibuf [dreg:s7], $0x6FFFF;
	_ =	strace $0x90000046  }
0xb3: {  	s29 =	simm.s32 $0x9;
	_ =	strace $0x8000004B  }
0xb4: {  	_ =	swait.ge [sflag:s29], $0x1  }
0xb5: {  	[sflag:s29] =	ssyncadd.s32 $0xFFFFFFFF  }
0xb6: {  	_ =	strace $0x9000004B  }
0xb7: {  	_ =	sfence  }
0xb8: {  	s30 =	sld [smem:$0x0];
	_ =	sdelay $0x2  }
0xb9: {  	s31 =	sshll.u32 s1, $0xD;
	s1 =	sshrl.u32 s1, $0x2  }
0xba: {  	s3 =	sand.u32 $0x4000, s31;
	s1 =	sadd.s32 s1, s30  }
0xbb: {  	s0 =	sor.u32 s3, s0;
	s1 =	sshll.u32 s1, $0x11  }
0xbc: {  	s0 =	sor.u32 s1, s0  }
0xbd: {  	s0 =	sadd.s32 $0x8F2B, s0  }
0xbe: {  	[sflag:s0] =	ssyncadd.remote.s32 $0x1  }
0xbf: {  	_ =	sfence.sel $0xFFFF  }
0xc0: {  	[dreg:$0x0] =	wrdreg $0xFFFFFFFF;
	(pc) =	sbr.abs _section_cstart, $3  }
0xc1: {  	[dreg:$0x1] =	wrdreg $0xFFFFFFFF  }
0xc2: {  	_ =	task.clear_ibuf [dreg:s7], $0x2FFFF;
	_ =	strace $0x9FFFFFFF  }
0xc3: {  	(tm) =	ssettm $0x7FFFFFFF  }
tec
execute0_lowered:
.L_overlay_start_1:
0x0: {  	(tag) =	ssettag $0x1  }
0x1: {  	s0 =	rddreg [dreg:$0x0]  }
0x2: {  	s5 =	rddreg [dreg:$0x1]  }
0x3: {  	s1 =	rddreg [dreg:$0x2]  }
0x4: {  	s3 =	srdreg.scid;
	s6 =	stileid.u32;
	s2 =	simm.s32 $0x0  }
0x5: {  	s12 =	simm.s32 $0x200;
	s13 =	simm.s32 $0x6380;
	s14 =	simm.s32 $0x100  }
0x6: {  	s15 =	simm.s32 $0x2380;
	s16 =	simm.s32 $0x280;
	s17 =	simm.s32 $0x8380  }
0x7: {  	s18 =	simm.s32 $0x180;
	s19 =	simm.s32 $0x4380;
	s20 =	simm.s32 $0x300  }
0x8: {  	s21 =	simm.s32 $0xA380;
	s22 =	simm.s32 $0x1;
	s23 =	simm.s32 $0x2  }
0x9: {  	v0 =	vlaneseq.u32;
	s24 =	simm.s32 $0xC4C0;
	s25 =	simm.s32 $0xC380;
	s26 =	simm.s32 $0x0  }
0xa: {  	s7 =	sand.u32 $0x1, s3;
	s30 =	sshll.u32 s6, $0x1;
	[smem:$0x7FF] =	sst s2;
	v1 =	vmul.u32 $0x18, v0  }
0xb: {  	s3 =	sadd.s32 $0x800, s0;
	s9 =	smul.u32 $0x280, s6;
	p0 =	sne.s32 s6, $0x0  }
0xc: {  	s4 =	sor.u32 s7, s30;
	s31 =	ssub.s32 $0x2, s7;
	s7 =	smul.u32 $0x140, s7;
	v2 =	vor.u32 $0x1, v1;
	v3 =	vor.u32 $0x2, v1;
	v4 =	vor.u32 $0x3, v1  }
0xd: {  	_ =	strace $0x80000047;
	s8 =	smul.u32 $0x140, s4;
	s10 =	sshrl.u32 s31, $0x1;
	v5 =	vor.u32 $0x4, v1;
	v6 =	vor.u32 $0x5, v1;
	v7 =	vor.u32 $0x6, v1  }
0xe: {  	s4 =	sadd.s32 $0x5A00, s0;
	v8 =	vor.u32 $0x7, v1;
	v9 =	vadd.s32 $0x8, v1;
	v10 =	vadd.s32 $0x9, v1;
	s0 =	ssub.s32 s31, s10;
	s7 =	sadd.s32 s7, s9  }
0xf: {  	v11 =	vadd.s32 $0xA, v1;
	v12 =	vadd.s32 $0xB, v1;
	v13 =	vadd.s32 $0xC, v1;
	s9 =	simm.s32 $0x3;
	s10 =	simm.s32 $0x80;
	s8 =	sshrl.u32 s8, $0x3  }
0x10: {  	v14 =	vadd.s32 $0xD, v1;
	v15 =	vadd.s32 $0xE, v1;
	v16 =	vadd.s32 $0xF, v1;
	s6 =	smax.u32 s0, $0x1;
	s5 =	sadd.s32 s5, s8;
	s8 =	sshrl.u32 @!p0 s1, $0x3  }
.LBB2_1:
0x11: {  	s0 =	simm.s32 @!p0 $0x1C03  }
0x12: {  	v17 =	vor.u32 s7, v0;
	[spmem:s8], [sflag:s0] =	dma.local @!p0 [hbm:s3], $0x5140  }
0x13: {  	vm0 =	vlt.s32 v17, $0x270F;
	s0 =	simm.s32 @!p0 $0x3  }
0x14: {  	v17 =	vnsel vm0, $0x270F, v17;
	_ =	swait.ge @!p0 [sflag:s0], $0x5140  }
0x15: {  	v18 =	vmulhi.u32 $0x51EB851F, v17;
	[sflag:s0] =	ssyncset.done @!p0 $0x0  }
0x16: {  	[sflag:s0] =	ssyncadd.s32 @!p0 $0xFFFFAEC0  }
0x17: {  	v18 =	vshrl.u32 v18, $0x5;
	[tilespmem:s2], [sflag:$0x3] =	stream.linear.gather [hbm4b:s4+s2], $0x80, $0x38;
	[tilespmem:$0xEEE0] =	vst v63  }
0x18: {  	v19 =	vmul.u32 $0xFFFFFF9C, v18;
	_ =	swait.ge [sflag:s9], $0x80  }
0x19: {  	[sflag:s9] =	ssyncset.done $0x0  }
0x1a: {  	v17 =	vadd.s32 v17, v19;
	[sflag:s9] =	ssyncadd.s32 $0xFFFFFF80  }
0x1b: {  	s30 =	sadd.s32 $0x10, s7;
	_ =	strace $0x80000048  }
0x1c: {  	v19 =	vor.u32 s30, v0;
	v20 =	vld.idx.msk [tilespmem:v18+s2+$0x0], $0xffff  }
0x1d: {  	vm15 =	vlt.s32 v19, $0x270F  }
0x1e: {  	v21 =	vnsel vm15, $0x270F, v19  }
0x1f: {  	v19 =	vmulhi.u32 $0x51EB851F, v21;
	v22 =	vld.idx.msk [tilespmem:v17+s2+$0x0], $0xffff;
	_ =	sdelay $0x1  }
0x20: {  	v19 =	vshrl.u32 v19, $0x5;
	v24 =	vmul.u32 $0x64, v20  }
0x21: {  	v23 =	vmul.u32 $0xFFFFFF9C, v19  }
0x22: {  	v17 =	vadd.s32 v17, v24  }
0x23: {  	v20 =	vadd.s32 v21, v23;
	v22 =	vmul.u32 $0x64, v22  }
0x24: {  	s29 =	simm.s32 $0x40;
	s0 =	simm.s32 $0x0  }
0x25: {  	s28 =	simm.s32 $0x80;
	s31 =	simm.s32 $0xC0;
	s30 =	sadd.s32 $0x10, s30;
	[tilespmem:s0+$0x80] =	vst v17;
	v21 =	vadd.s32 v18, v22;
	v18 =	vmov v20;
	v17 =	vmov v19  }
.LBB2_2:
0x26: {  	p1 =	sne.s32 s31, $0x5C0;
	v22 =	vor.u32 s30, v0;
	[tilespmem:s0+$0x200] =	vst v21;
	s11 =	smov.u32 s31;
	s31 =	sadd.s32 $0x40, s31  }
0x27: {  	vm0 =	vlt.s32 v22, $0x270F;
	v21 =	vld.idx.msk [tilespmem:v19+s2+$0x0], $0xffff  }
0x28: {  	v22 =	vnsel vm0, $0x270F, v22;
	v23 =	vld.idx.msk [tilespmem:v20+s2+$0x0], $0xffff  }
0x29: {  	v19 =	vmulhi.u32 $0x51EB851F, v22;
	_ =	sdelay $0x1  }
0x2a: {  	v19 =	vshrl.u32 v19, $0x5  }
.Ltmp0:
0x2b: {  	v20 =	vmul.u32 $0xFFFFFF9C, v19;
	(pc) =	sbr.rel @p1 .LBB2_2-.Ltmp0, $4  }
0x2c: {  	v21 =	vmul.u32 $0x64, v21  }
0x2d: {  	v20 =	vadd.s32 v22, v20;
	v22 =	vmul.u32 $0x64, v23  }
0x2e: {  	s0 =	sshra.s32 s29, $0x2;
	s29 =	smov.u32 s28;
	s28 =	smov.u32 s11;
	v21 =	vadd.s32 v18, v21;
	v18 =	vmov v20  }
0x2f: {  	s30 =	sadd.s32 $0x10, s30;
	[tilespmem:s0+$0x80] =	vst v21;
	v21 =	vadd.s32 v17, v22;
	v17 =	vmov v19  }
0x30: {  	_ =	sdelay $0x1  }
0x31: {  	v22 =	vor.u32 s30, v0  }
0x32: {  	[tilespmem:s0+$0x200] =	vst v21;
	vm0 =	vlt.s32 v22, $0x270F  }
0x33: {  	v19 =	vld.idx.msk [tilespmem:v19+s2+$0x0], $0xffff;
	v21 =	vnsel vm0, $0x270F, v22  }
0x34: {  	v20 =	vld.idx.msk [tilespmem:v20+s2+$0x0], $0xffff;
	v22 =	vmulhi.u32 $0x51EB851F, v21;
	_ =	sdelay $0x1  }
0x35: {  	v22 =	vshrl.u32 v22, $0x5  }
0x36: {  	v23 =	vmul.u32 $0xFFFFFF9C, v22  }
0x37: {  	v19 =	vmul.u32 $0x64, v19  }
0x38: {  	v20 =	vmul.u32 $0x64, v20;
	v21 =	vadd.s32 v21, v23  }
0x39: {  	s31 =	sshra.s32 s29, $0x2;
	v18 =	vadd.s32 v18, v19  }
0x3a: {  	v17 =	vadd.s32 v17, v20;
	[tilespmem:s31+$0x80] =	vst v18  }
0x3b: {  	[tilespmem:s31+$0x200] =	vst v17  }
0x3c: {  	v17 =	vld.idx.msk [tilespmem:v22+s2+$0x0], $0xffff  }
0x3d: {  	v18 =	vld.idx.msk [tilespmem:v21+s2+$0x0], $0xffff;
	_ =	sdelay $0x3  }
0x3e: {  	v17 =	vmul.u32 $0x64, v17  }
0x3f: {  	v18 =	vmul.u32 $0x64, v18  }
0x40: {  	s11 =	sshra.s32 s28, $0x2;
	v17 =	vadd.s32 v21, v17  }
0x41: {  	[tilespmem:s11+$0x80] =	vst v17;
	v17 =	vadd.s32 v22, v18  }
0x42: {  	[tilespmem:s11+$0x200] =	vst v17  }
0x43: {  	_ =	strace $0x90000048  }
0x44: {  	[bflag:$0x0] =	sbarrier.arrive $0xFFFF  }
0x45: {  	s31 =	simm.s32 $0x380;
	_ =	strace $0x80000049  }
0x46: {  	[tilespmem:s31], [sflag:$0x1] =	stream.indirect.gather [spmem:s1], $0x40, s10, s10, $0x2000b8;
	[tilespmem:$0xEEE0] =	vst v63  }
0x47: {  	_ = 	snop  }
0x48: {  	[tilespmem:s13], [sflag:$0x2] =	stream.indirect.gather [spmem:s1], $0x40, s12, s10, $0x2000b8;
	[tilespmem:$0xEEE0] =	vst v63  }
0x49: {  	_ = 	snop  }
0x4a: {  	[tilespmem:s15], [sflag:$0x1] =	stream.indirect.gather [spmem:s1], $0x40, s14, s10, $0x2000b8;
	[tilespmem:$0xEEE0] =	vst v63  }
0x4b: {  	_ = 	snop  }
0x4c: {  	[tilespmem:s17], [sflag:$0x2] =	stream.indirect.gather [spmem:s1], $0x40, s16, s10, $0x2000b8;
	[tilespmem:$0xEEE0] =	vst v63  }
0x4d: {  	_ = 	snop  }
0x4e: {  	[tilespmem:s19], [sflag:$0x1] =	stream.indirect.gather [spmem:s1], $0x40, s18, s10, $0x2000b8;
	[tilespmem:$0xEEE0] =	vst v63  }
0x4f: {  	_ = 	snop  }
0x50: {  	[tilespmem:s21], [sflag:$0x2] =	stream.indirect.gather [spmem:s1], $0x40, s20, s10, $0x2000b8;
	[tilespmem:$0xEEE0] =	vst v63  }
0x51: {  	_ =	swait.ge [sflag:s22], $0x2000  }
0x52: {  	[sflag:s22] =	ssyncset.done $0x0  }
0x53: {  	[sflag:s22] =	ssyncadd.s32 $0xFFFFE000  }
0x54: {  	_ =	swait.ge [sflag:s23], $0x2000  }
0x55: {  	[sflag:s23] =	ssyncset.done $0x0  }
0x56: {  	[sflag:s23] =	ssyncadd.s32 $0xFFFFE000  }
0x57: {  	_ =	swait.ge [sflag:s22], $0x2000  }
0x58: {  	[sflag:s22] =	ssyncset.done $0x0  }
0x59: {  	[sflag:s22] =	ssyncadd.s32 $0xFFFFE000  }
0x5a: {  	_ =	swait.ge [sflag:s23], $0x2000  }
0x5b: {  	[sflag:s23] =	ssyncset.done $0x0  }
0x5c: {  	[sflag:s23] =	ssyncadd.s32 $0xFFFFE000  }
0x5d: {  	_ =	swait.ge [sflag:s22], $0x2000  }
0x5e: {  	[sflag:s22] =	ssyncset.done $0x0  }
0x5f: {  	[sflag:s22] =	ssyncadd.s32 $0xFFFFE000  }
0x60: {  	_ =	swait.ge [sflag:s23], $0x2000  }
0x61: {  	[sflag:s23] =	ssyncset.done $0x0  }
0x62: {  	[sflag:s23] =	ssyncadd.s32 $0xFFFFE000  }
0x63: {  	_ =	strace $0x90000049  }
0x64: {  	s28 =	simm.s32 $0x3F0;
	_ =	strace $0x8000004A  }
0x65: {  	v17 =	vld [tilespmem:s28+$0xFFFFFF90]  }
0x66: {  	v18 =	vld [tilespmem:s28+$0x5F90]  }
0x67: {  	v19 =	vld [tilespmem:s28+$0x5FA0]  }
0x68: {  	v20 =	vld [tilespmem:s28+$0xFFFFFFA0]  }
0x69: {  	v21 =	vld [tilespmem:s28+$0x5FB0]  }
0x6a: {  	v22 =	vld [tilespmem:s28+$0xFFFFFFB0]  }
0x6b: {  	v23 =	vld [tilespmem:s28+$0x5FC0];
	v17 =	vmul.f32 v18, v17  }
0x6c: {  	v18 =	vld [tilespmem:s28+$0xFFFFFFC0]  }
0x6d: {  	v19 =	vmul.f32 v19, v20;
	v17 =	vadd.f32 $0.0e+00, v17;
	_ =	sdelay $0x1  }
0x6e: {  	v20 =	vmul.f32 v21, v22;
	v17 =	vadd.f32 v19, v17;
	_ =	sdelay $0x1  }
0x6f: {  	v18 =	vmul.f32 v23, v18;
	v17 =	vadd.f32 v20, v17;
	_ =	sdelay $0x1  }
0x70: {  	v17 =	vadd.f32 v18, v17;
	_ =	sdelay $0x1  }
0x71: {  	[tilespmem:$0xC4C0] =	vst v17  }
0x72: {  	v17 =	vld [tilespmem:s28+$0xFFFFFFD0]  }
0x73: {  	v18 =	vld [tilespmem:s28+$0x5FD0]  }
0x74: {  	v19 =	vld [tilespmem:s28+$0xFFFFFFE0]  }
0x75: {  	v20 =	vld [tilespmem:s28+$0x5FE0]  }
0x76: {  	v21 =	vld [tilespmem:s28+$0x5FF0]  }
0x77: {  	v22 =	vld [tilespmem:s28+$0xFFFFFFF0]  }
0x78: {  	v23 =	vld [tilespmem:s28+$0x0];
	v17 =	vmul.f32 v18, v17  }
0x79: {  	v18 =	vld [tilespmem:s28+$0x6000]  }
0x7a: {  	v19 =	vmul.f32 v20, v19;
	v17 =	vadd.f32 $0.0e+00, v17;
	_ =	sdelay $0x1  }
0x7b: {  	v17 =	vadd.f32 v19, v17;
	v19 =	vmul.f32 v21, v22;
	_ =	sdelay $0x1  }
0x7c: {  	v18 =	vmul.f32 v18, v23;
	v17 =	vadd.f32 v19, v17;
	_ =	sdelay $0x1  }
0x7d: {  	v17 =	vadd.f32 v18, v17;
	_ =	sdelay $0x1  }
0x7e: {  	[tilespmem:$0xC4D8] =	vst v17  }
0x7f: {  	v17 =	vld [tilespmem:s28+$0x6010]  }
0x80: {  	v18 =	vld [tilespmem:s28+$0x10]  }
0x81: {  	v19 =	vld [tilespmem:s28+$0x20]  }
0x82: {  	v20 =	vld [tilespmem:s28+$0x6020]  }
0x83: {  	v21 =	vld [tilespmem:s28+$0x6030]  }
0x84: {  	v22 =	vld [tilespmem:s28+$0x30]  }
0x85: {  	v23 =	vld [tilespmem:s28+$0x40];
	v17 =	vmul.f32 v17, v18  }
0x86: {  	v18 =	vld [tilespmem:s28+$0x6040]  }
0x87: {  	v19 =	vmul.f32 v20, v19;
	v17 =	vadd.f32 $0.0e+00, v17;
	_ =	sdelay $0x1  }
0x88: {  	v17 =	vadd.f32 v19, v17;
	v19 =	vmul.f32 v21, v22;
	_ =	sdelay $0x1  }
0x89: {  	v18 =	vmul.f32 v18, v23;
	v17 =	vadd.f32 v19, v17;
	_ =	sdelay $0x1  }
0x8a: {  	v17 =	vadd.f32 v18, v17;
	_ =	sdelay $0x1  }
0x8b: {  	[tilespmem:$0xC4F0] =	vst v17  }
0x8c: {  	v17 =	vld [tilespmem:s28+$0x50]  }
0x8d: {  	v18 =	vld [tilespmem:s28+$0x6050]  }
0x8e: {  	v19 =	vld [tilespmem:s28+$0x6060]  }
0x8f: {  	v20 =	vld [tilespmem:s28+$0x60]  }
0x90: {  	v21 =	vld [tilespmem:s28+$0x6070]  }
0x91: {  	v22 =	vld [tilespmem:s28+$0x70]  }
0x92: {  	v23 =	vld [tilespmem:s28+$0x80];
	v17 =	vmul.f32 v18, v17  }
0x93: {  	v18 =	vld [tilespmem:s28+$0x6080]  }
0x94: {  	v19 =	vmul.f32 v19, v20;
	v17 =	vadd.f32 $0.0e+00, v17;
	_ =	sdelay $0x1  }
0x95: {  	v17 =	vadd.f32 v19, v17;
	v19 =	vmul.f32 v21, v22;
	_ =	sdelay $0x1  }
0x96: {  	v18 =	vmul.f32 v18, v23;
	v17 =	vadd.f32 v19, v17;
	_ =	sdelay $0x1  }
0x97: {  	v17 =	vadd.f32 v18, v17;
	_ =	sdelay $0x1  }
0x98: {  	[tilespmem:$0xC508] =	vst v17  }
0x99: {  	v17 =	vld [tilespmem:s28+$0x90]  }
0x9a: {  	v18 =	vld [tilespmem:s28+$0x6090]  }
0x9b: {  	v19 =	vld [tilespmem:s28+$0x60A0]  }
0x9c: {  	v20 =	vld [tilespmem:s28+$0xA0]  }
0x9d: {  	v21 =	vld [tilespmem:s28+$0xB0]  }
0x9e: {  	v22 =	vld [tilespmem:s28+$0x60B0]  }
0x9f: {  	v23 =	vld [tilespmem:s28+$0x60C0];
	v17 =	vmul.f32 v18, v17  }
0xa0: {  	v18 =	vld [tilespmem:s28+$0xC0]  }
0xa1: {  	v19 =	vmul.f32 v19, v20;
	v17 =	vadd.f32 $0.0e+00, v17;
	_ =	sdelay $0x1  }
0xa2: {  	v17 =	vadd.f32 v19, v17;
	v19 =	vmul.f32 v22, v21;
	_ =	sdelay $0x1  }
0xa3: {  	v18 =	vmul.f32 v23, v18;
	v17 =	vadd.f32 v19, v17;
	_ =	sdelay $0x1  }
0xa4: {  	v17 =	vadd.f32 v18, v17;
	_ =	sdelay $0x1  }
0xa5: {  	[tilespmem:$0xC520] =	vst v17  }
0xa6: {  	v17 =	vld [tilespmem:s28+$0xD0]  }
0xa7: {  	v18 =	vld [tilespmem:s28+$0x60D0]  }
0xa8: {  	v19 =	vld [tilespmem:s28+$0x60E0]  }
0xa9: {  	v20 =	vld [tilespmem:s28+$0xE0]  }
0xaa: {  	v21 =	vld [tilespmem:s28+$0xF0]  }
0xab: {  	v22 =	vld [tilespmem:s28+$0x60F0]  }
0xac: {  	v23 =	vld [tilespmem:s28+$0x6100];
	v17 =	vmul.f32 v18, v17  }
0xad: {  	v18 =	vld [tilespmem:s28+$0x100]  }
0xae: {  	v19 =	vmul.f32 v19, v20;
	v17 =	vadd.f32 $0.0e+00, v17;
	_ =	sdelay $0x1  }
0xaf: {  	v17 =	vadd.f32 v19, v17;
	v19 =	vmul.f32 v22, v21;
	_ =	sdelay $0x1  }
0xb0: {  	v18 =	vmul.f32 v23, v18;
	v17 =	vadd.f32 v19, v17;
	_ =	sdelay $0x1  }
0xb1: {  	v17 =	vadd.f32 v18, v17;
	_ =	sdelay $0x1  }
0xb2: {  	[tilespmem:$0xC538] =	vst v17  }
0xb3: {  	v17 =	vld [tilespmem:s28+$0x6110]  }
0xb4: {  	v18 =	vld [tilespmem:s28+$0x110]  }
0xb5: {  	v19 =	vld [tilespmem:s28+$0x6120]  }
0xb6: {  	v20 =	vld [tilespmem:s28+$0x120]  }
0xb7: {  	v21 =	vld [tilespmem:s28+$0x130]  }
0xb8: {  	v22 =	vld [tilespmem:s28+$0x6130]  }
0xb9: {  	v23 =	vld [tilespmem:s28+$0x6140];
	v17 =	vmul.f32 v17, v18  }
0xba: {  	v18 =	vld [tilespmem:s28+$0x140]  }
0xbb: {  	v19 =	vmul.f32 v19, v20;
	v17 =	vadd.f32 $0.0e+00, v17;
	_ =	sdelay $0x1  }
0xbc: {  	v17 =	vadd.f32 v19, v17;
	v19 =	vmul.f32 v22, v21;
	_ =	sdelay $0x1  }
0xbd: {  	v18 =	vmul.f32 v23, v18;
	v17 =	vadd.f32 v19, v17;
	_ =	sdelay $0x1  }
0xbe: {  	v17 =	vadd.f32 v18, v17;
	_ =	sdelay $0x1  }
0xbf: {  	[tilespmem:$0xC550] =	vst v17  }
0xc0: {  	v17 =	vld [tilespmem:s28+$0x150]  }
0xc1: {  	v18 =	vld [tilespmem:s28+$0x6150]  }
0xc2: {  	v19 =	vld [tilespmem:s28+$0x160]  }
0xc3: {  	v20 =	vld [tilespmem:s28+$0x6160]  }
0xc4: {  	v21 =	vld [tilespmem:s28+$0x170]  }
0xc5: {  	v22 =	vld [tilespmem:s28+$0x6170]  }
0xc6: {  	v23 =	vld [tilespmem:s28+$0x180];
	v17 =	vmul.f32 v18, v17  }
0xc7: {  	v18 =	vld [tilespmem:s28+$0x6180]  }
0xc8: {  	v19 =	vmul.f32 v20, v19;
	v17 =	vadd.f32 $0.0e+00, v17;
	_ =	sdelay $0x1  }
0xc9: {  	v20 =	vmul.f32 v22, v21;
	v17 =	vadd.f32 v19, v17;
	_ =	sdelay $0x1  }
0xca: {  	v18 =	vmul.f32 v18, v23;
	v17 =	vadd.f32 v20, v17;
	_ =	sdelay $0x1  }
0xcb: {  	v17 =	vadd.f32 v18, v17;
	_ =	sdelay $0x1  }
0xcc: {  	[tilespmem:$0xC568] =	vst v17  }
0xcd: {  	v17 =	vld [tilespmem:s28+$0x190]  }
0xce: {  	v18 =	vld [tilespmem:s28+$0x6190]  }
0xcf: {  	v19 =	vld [tilespmem:s28+$0x1A0]  }
0xd0: {  	v20 =	vld [tilespmem:s28+$0x61A0]  }
0xd1: {  	v21 =	vld [tilespmem:s28+$0x61B0]  }
0xd2: {  	v22 =	vld [tilespmem:s28+$0x1B0]  }
0xd3: {  	v23 =	vld [tilespmem:s28+$0x1C0];
	v17 =	vmul.f32 v18, v17  }
0xd4: {  	v18 =	vld [tilespmem:s28+$0x61C0]  }
0xd5: {  	v19 =	vmul.f32 v20, v19;
	v17 =	vadd.f32 $0.0e+00, v17;
	_ =	sdelay $0x1  }
0xd6: {  	v17 =	vadd.f32 v19, v17;
	v19 =	vmul.f32 v21, v22;
	_ =	sdelay $0x1  }
0xd7: {  	v18 =	vmul.f32 v18, v23;
	v17 =	vadd.f32 v19, v17;
	_ =	sdelay $0x1  }
0xd8: {  	v17 =	vadd.f32 v18, v17;
	_ =	sdelay $0x1  }
0xd9: {  	[tilespmem:$0xC580] =	vst v17  }
0xda: {  	v17 =	vld [tilespmem:s28+$0x1D0]  }
0xdb: {  	v18 =	vld [tilespmem:s28+$0x61D0]  }
0xdc: {  	v19 =	vld [tilespmem:s28+$0x1E0]  }
0xdd: {  	v20 =	vld [tilespmem:s28+$0x61E0]  }
0xde: {  	v21 =	vld [tilespmem:s28+$0x1F0]  }
0xdf: {  	v22 =	vld [tilespmem:s28+$0x61F0]  }
0xe0: {  	v23 =	vld [tilespmem:s28+$0x6200];
	v17 =	vmul.f32 v18, v17  }
0xe1: {  	v18 =	vld [tilespmem:s28+$0x200]  }
0xe2: {  	v19 =	vmul.f32 v20, v19;
	v17 =	vadd.f32 $0.0e+00, v17;
	_ =	sdelay $0x1  }
0xe3: {  	v17 =	vadd.f32 v19, v17;
	v19 =	vmul.f32 v22, v21;
	_ =	sdelay $0x1  }
0xe4: {  	v18 =	vmul.f32 v23, v18;
	v17 =	vadd.f32 v19, v17;
	_ =	sdelay $0x1  }
0xe5: {  	v17 =	vadd.f32 v18, v17;
	_ =	sdelay $0x1  }
0xe6: {  	[tilespmem:$0xC598] =	vst v17  }
0xe7: {  	v17 =	vld [tilespmem:s28+$0x210]  }
0xe8: {  	v18 =	vld [tilespmem:s28+$0x6210]  }
0xe9: {  	v19 =	vld [tilespmem:s28+$0x220]  }
0xea: {  	v20 =	vld [tilespmem:s28+$0x6220]  }
0xeb: {  	v21 =	vld [tilespmem:s28+$0x230]  }
0xec: {  	v22 =	vld [tilespmem:s28+$0x6230]  }
0xed: {  	v23 =	vld [tilespmem:s28+$0x6240];
	v17 =	vmul.f32 v18, v17  }
0xee: {  	v18 =	vld [tilespmem:s28+$0x240]  }
0xef: {  	v19 =	vmul.f32 v20, v19;
	v17 =	vadd.f32 $0.0e+00, v17;
	_ =	sdelay $0x1  }
0xf0: {  	v17 =	vadd.f32 v19, v17;
	v19 =	vmul.f32 v22, v21;
	_ =	sdelay $0x1  }
0xf1: {  	v18 =	vmul.f32 v23, v18;
	v17 =	vadd.f32 v19, v17;
	_ =	sdelay $0x1  }
0xf2: {  	v17 =	vadd.f32 v18, v17;
	_ =	sdelay $0x1  }
0xf3: {  	[tilespmem:$0xC5B0] =	vst v17  }
0xf4: {  	v17 =	vld [tilespmem:s28+$0x250]  }
0xf5: {  	v18 =	vld [tilespmem:s28+$0x6250]  }
0xf6: {  	v19 =	vld [tilespmem:s28+$0x260]  }
0xf7: {  	v20 =	vld [tilespmem:s28+$0x6260]  }
0xf8: {  	v21 =	vld [tilespmem:s28+$0x270]  }
0xf9: {  	v22 =	vld [tilespmem:s28+$0x6270]  }
0xfa: {  	v23 =	vld [tilespmem:s28+$0x6280];
	v17 =	vmul.f32 v18, v17  }
0xfb: {  	v18 =	vld [tilespmem:s28+$0x280]  }
0xfc: {  	v19 =	vmul.f32 v20, v19;
	v17 =	vadd.f32 $0.0e+00, v17;
	_ =	sdelay $0x1  }
0xfd: {  	v17 =	vadd.f32 v19, v17;
	v19 =	vmul.f32 v22, v21;
	_ =	sdelay $0x1  }
0xfe: {  	v18 =	vmul.f32 v23, v18;
	v17 =	vadd.f32 v19, v17;
	_ =	sdelay $0x1  }
0xff: {  	v17 =	vadd.f32 v18, v17;
	_ =	sdelay $0x1  }
0x100: {  	[tilespmem:$0xC5C8] =	vst v17  }
0x101: {  	v17 =	vld [tilespmem:s28+$0x290]  }
0x102: {  	v18 =	vld [tilespmem:s28+$0x6290]  }
0x103: {  	v19 =	vld [tilespmem:s28+$0x2A0]  }
0x104: {  	v20 =	vld [tilespmem:s28+$0x62A0]  }
0x105: {  	v21 =	vld [tilespmem:s28+$0x2B0]  }
0x106: {  	v22 =	vld [tilespmem:s28+$0x62B0]  }
0x107: {  	v23 =	vld [tilespmem:s28+$0x62C0];
	v17 =	vmul.f32 v18, v17  }
0x108: {  	v18 =	vld [tilespmem:s28+$0x2C0]  }
0x109: {  	v19 =	vmul.f32 v20, v19;
	v17 =	vadd.f32 $0.0e+00, v17;
	_ =	sdelay $0x1  }
0x10a: {  	v17 =	vadd.f32 v19, v17;
	v19 =	vmul.f32 v22, v21;
	_ =	sdelay $0x1  }
0x10b: {  	v18 =	vmul.f32 v23, v18;
	v17 =	vadd.f32 v19, v17;
	_ =	sdelay $0x1  }
0x10c: {  	v17 =	vadd.f32 v18, v17;
	_ =	sdelay $0x1  }
0x10d: {  	[tilespmem:$0xC5E0] =	vst v17  }
0x10e: {  	v17 =	vld [tilespmem:s28+$0x2D0]  }
0x10f: {  	v18 =	vld [tilespmem:s28+$0x62D0]  }
0x110: {  	v19 =	vld [tilespmem:s28+$0x62E0]  }
0x111: {  	v20 =	vld [tilespmem:s28+$0x2E0]  }
0x112: {  	v21 =	vld [tilespmem:s28+$0x2F0]  }
0x113: {  	v22 =	vld [tilespmem:s28+$0x62F0]  }
0x114: {  	v23 =	vld [tilespmem:s28+$0x6300];
	v17 =	vmul.f32 v18, v17  }
0x115: {  	v18 =	vld [tilespmem:s28+$0x300]  }
0x116: {  	v19 =	vmul.f32 v19, v20;
	v17 =	vadd.f32 $0.0e+00, v17;
	_ =	sdelay $0x1  }
0x117: {  	v17 =	vadd.f32 v19, v17;
	v19 =	vmul.f32 v22, v21;
	_ =	sdelay $0x1  }
0x118: {  	v18 =	vmul.f32 v23, v18;
	v17 =	vadd.f32 v19, v17;
	_ =	sdelay $0x1  }
0x119: {  	v17 =	vadd.f32 v18, v17;
	_ =	sdelay $0x1  }
0x11a: {  	[tilespmem:$0xC5F8] =	vst v17  }
0x11b: {  	v17 =	vld [tilespmem:s28+$0x310]  }
0x11c: {  	v18 =	vld [tilespmem:s28+$0x6310]  }
0x11d: {  	v19 =	vld [tilespmem:s28+$0x320]  }
0x11e: {  	v20 =	vld [tilespmem:s28+$0x6320]  }
0x11f: {  	v21 =	vld [tilespmem:s28+$0x330]  }
0x120: {  	v22 =	vld [tilespmem:s28+$0x6330]  }
0x121: {  	v23 =	vld [tilespmem:s28+$0x6340];
	v17 =	vmul.f32 v18, v17  }
0x122: {  	v18 =	vld [tilespmem:s28+$0x340]  }
0x123: {  	v19 =	vmul.f32 v20, v19;
	v17 =	vadd.f32 $0.0e+00, v17;
	_ =	sdelay $0x1  }
0x124: {  	v17 =	vadd.f32 v19, v17;
	v19 =	vmul.f32 v22, v21;
	_ =	sdelay $0x1  }
0x125: {  	v18 =	vmul.f32 v23, v18;
	v17 =	vadd.f32 v19, v17;
	_ =	sdelay $0x1  }
0x126: {  	v17 =	vadd.f32 v18, v17;
	_ =	sdelay $0x1  }
0x127: {  	[tilespmem:$0xC610] =	vst v17  }
0x128: {  	v17 =	vld [tilespmem:s28+$0x350]  }
0x129: {  	v18 =	vld [tilespmem:s28+$0x6350]  }
0x12a: {  	v19 =	vld [tilespmem:s28+$0x360]  }
0x12b: {  	v20 =	vld [tilespmem:s28+$0x6360]  }
0x12c: {  	v21 =	vld [tilespmem:s28+$0x370]  }
0x12d: {  	v22 =	vld [tilespmem:s28+$0x6370]  }
0x12e: {  	v23 =	vld [tilespmem:s28+$0x6380];
	v17 =	vmul.f32 v18, v17  }
0x12f: {  	v18 =	vld [tilespmem:s28+$0x380]  }
0x130: {  	v19 =	vmul.f32 v20, v19;
	v17 =	vadd.f32 $0.0e+00, v17;
	_ =	sdelay $0x1  }
0x131: {  	v17 =	vadd.f32 v19, v17;
	v19 =	vmul.f32 v22, v21;
	_ =	sdelay $0x1  }
0x132: {  	v18 =	vmul.f32 v23, v18;
	v17 =	vadd.f32 v19, v17;
	_ =	sdelay $0x1  }
0x133: {  	v17 =	vadd.f32 v18, v17;
	_ =	sdelay $0x1  }
0x134: {  	[tilespmem:$0xC628] =	vst v17  }
0x135: {  	v17 =	vld.idx.msk [tilespmem:v1+s24+$0x0], $0xffff  }
0x136: {  	v18 =	vld.idx.msk [tilespmem:v2+s24+$0x0], $0xffff  }
0x137: {  	v19 =	vld.idx.msk [tilespmem:v3+s24+$0x0], $0xffff  }
0x138: {  	v20 =	vld.idx.msk [tilespmem:v4+s24+$0x0], $0xffff  }
0x139: {  	v25 =	vld.idx.msk [tilespmem:v5+s24+$0x0], $0xffff  }
0x13a: {  	v27 =	vld.idx.msk [tilespmem:v6+s24+$0x0], $0xffff;
	v22 =	vadd.f32 $0.0e+00, v17  }
0x13b: {  	v21 =	vld.idx.msk [tilespmem:v7+s24+$0x0], $0xffff  }
0x13c: {  	v17 =	vld.idx.msk [tilespmem:v8+s24+$0x0], $0xffff;
	v23 =	vadd.f32 v18, v22  }
0x13d: {  	v22 =	vld.idx.msk [tilespmem:v9+s24+$0x0], $0xffff  }
0x13e: {  	v18 =	vld.idx.msk [tilespmem:v10+s24+$0x0], $0xffff;
	v24 =	vadd.f32 v19, v23  }
0x13f: {  	v23 =	vld.idx.msk [tilespmem:v11+s24+$0x0], $0xffff  }
0x140: {  	v19 =	vld.idx.msk [tilespmem:v12+s24+$0x0], $0xffff;
	v26 =	vadd.f32 v20, v24  }
0x141: {  	v24 =	vld.idx.msk [tilespmem:v13+s24+$0x0], $0xffff  }
0x142: {  	v20 =	vld.idx.msk [tilespmem:v14+s24+$0x0], $0xffff;
	v28 =	vadd.f32 v25, v26  }
0x143: {  	v25 =	vld.idx.msk [tilespmem:v15+s24+$0x0], $0xffff  }
0x144: {  	s29 =	simm.s32 $0xC380;
	s30 =	simm.s32 $0x1FC0;
	s28 =	simm.s32 $0xC380;
	v26 =	vld.idx.msk [tilespmem:v16+s24+$0x0], $0xffff;
	v27 =	vadd.f32 v27, v28  }
.LBB2_4:
0x145: {  	p1 =	sne.s32 s30, $0x13FC0  }
0x146: {  	s29 =	sadd.s32 $0x10, s29;
	s0 =	smov.u32 s30;
	s30 =	sadd.s32 $0x1000, s30  }
0x147: {  	v21 =	vadd.f32 v21, v27;
	_ =	sdelay $0x1  }
0x148: {  	v17 =	vadd.f32 v17, v21;
	_ =	sdelay $0x1  }
0x149: {  	v17 =	vadd.f32 v22, v17;
	_ =	sdelay $0x1  }
0x14a: {  	v17 =	vadd.f32 v18, v17;
	_ =	sdelay $0x1  }
0x14b: {  	v17 =	vadd.f32 v23, v17;
	_ =	sdelay $0x1  }
0x14c: {  	v17 =	vadd.f32 v19, v17;
	_ =	sdelay $0x1  }
0x14d: {  	v17 =	vadd.f32 v24, v17;
	_ =	sdelay $0x1  }
0x14e: {  	v17 =	vadd.f32 v20, v17;
	_ =	sdelay $0x1  }
0x14f: {  	v17 =	vadd.f32 v25, v17;
	_ =	sdelay $0x1  }
0x150: {  	s31 =	sshra.s32 s0, $0x2;
	v17 =	vadd.f32 v26, v17;
	_ =	sdelay $0x1  }
0x151: {  	[tilespmem:s28+$0x0] =	vst v17;
	s28 =	smov.u32 s29  }
0x152: {  	v17 =	vld [tilespmem:s31+$0xFFFFFF90]  }
0x153: {  	v18 =	vld [tilespmem:s31+$0x5FA0]  }
0x154: {  	v19 =	vld [tilespmem:s31+$0x5F90]  }
0x155: {  	v20 =	vld [tilespmem:s31+$0xFFFFFFA0]  }
0x156: {  	v21 =	vld [tilespmem:s31+$0x5FB0]  }
0x157: {  	v22 =	vld [tilespmem:s31+$0xFFFFFFB0]  }
0x158: {  	v23 =	vld [tilespmem:s31+$0x5FC0]  }
0x159: {  	v17 =	vmul.f32 v19, v17;
	v19 =	vld [tilespmem:s31+$0xFFFFFFC0]  }
0x15a: {  	v18 =	vmul.f32 v18, v20  }
0x15b: {  	v17 =	vadd.f32 $0.0e+00, v17  }
0x15c: {  	v20 =	vmul.f32 v21, v22  }
0x15d: {  	v17 =	vadd.f32 v18, v17  }
0x15e: {  	v18 =	vmul.f32 v23, v19  }
0x15f: {  	v17 =	vadd.f32 v20, v17;
	_ =	sdelay $0x1  }
0x160: {  	v17 =	vadd.f32 v18, v17;
	_ =	sdelay $0x1  }
0x161: {  	[tilespmem:$0xC4C0] =	vst v17  }
0x162: {  	v17 =	vld [tilespmem:s31+$0xFFFFFFD0]  }
0x163: {  	v18 =	vld [tilespmem:s31+$0x5FD0]  }
0x164: {  	v19 =	vld [tilespmem:s31+$0xFFFFFFE0]  }
0x165: {  	v20 =	vld [tilespmem:s31+$0x5FE0]  }
0x166: {  	v21 =	vld [tilespmem:s31+$0x5FF0]  }
0x167: {  	v22 =	vld [tilespmem:s31+$0xFFFFFFF0]  }
0x168: {  	v17 =	vmul.f32 v18, v17;
	v18 =	vld [tilespmem:s31+$0x6000]  }
0x169: {  	v23 =	vld [tilespmem:s31+$0x0]  }
0x16a: {  	v17 =	vadd.f32 $0.0e+00, v17;
	v19 =	vmul.f32 v20, v19;
	_ =	sdelay $0x1  }
0x16b: {  	v17 =	vadd.f32 v19, v17;
	v19 =	vmul.f32 v21, v22;
	_ =	sdelay $0x1  }
0x16c: {  	v17 =	vadd.f32 v19, v17;
	v18 =	vmul.f32 v18, v23;
	_ =	sdelay $0x1  }
0x16d: {  	v17 =	vadd.f32 v18, v17;
	_ =	sdelay $0x1  }
0x16e: {  	[tilespmem:$0xC4D8] =	vst v17  }
0x16f: {  	v17 =	vld [tilespmem:s31+$0x6010]  }
0x170: {  	v18 =	vld [tilespmem:s31+$0x10]  }
0x171: {  	v19 =	vld [tilespmem:s31+$0x20]  }
0x172: {  	v20 =	vld [tilespmem:s31+$0x6020]  }
0x173: {  	v21 =	vld [tilespmem:s31+$0x6030]  }
0x174: {  	v22 =	vld [tilespmem:s31+$0x30]  }
0x175: {  	v17 =	vmul.f32 v17, v18;
	v18 =	vld [tilespmem:s31+$0x6040]  }
0x176: {  	v23 =	vld [tilespmem:s31+$0x40]  }
0x177: {  	v17 =	vadd.f32 $0.0e+00, v17;
	v19 =	vmul.f32 v20, v19;
	_ =	sdelay $0x1  }
0x178: {  	v17 =	vadd.f32 v19, v17;
	v19 =	vmul.f32 v21, v22;
	_ =	sdelay $0x1  }
0x179: {  	v17 =	vadd.f32 v19, v17;
	v18 =	vmul.f32 v18, v23;
	_ =	sdelay $0x1  }
0x17a: {  	v17 =	vadd.f32 v18, v17;
	_ =	sdelay $0x1  }
0x17b: {  	[tilespmem:$0xC4F0] =	vst v17  }
0x17c: {  	v17 =	vld [tilespmem:s31+$0x50]  }
0x17d: {  	v18 =	vld [tilespmem:s31+$0x6050]  }
0x17e: {  	v19 =	vld [tilespmem:s31+$0x6060]  }
0x17f: {  	v20 =	vld [tilespmem:s31+$0x60]  }
0x180: {  	v21 =	vld [tilespmem:s31+$0x6070]  }
0x181: {  	v22 =	vld [tilespmem:s31+$0x70]  }
0x182: {  	v17 =	vmul.f32 v18, v17;
	v18 =	vld [tilespmem:s31+$0x6080]  }
0x183: {  	v23 =	vld [tilespmem:s31+$0x80]  }
0x184: {  	v17 =	vadd.f32 $0.0e+00, v17;
	v19 =	vmul.f32 v19, v20;
	_ =	sdelay $0x1  }
0x185: {  	v17 =	vadd.f32 v19, v17;
	v19 =	vmul.f32 v21, v22;
	_ =	sdelay $0x1  }
0x186: {  	v17 =	vadd.f32 v19, v17;
	v18 =	vmul.f32 v18, v23;
	_ =	sdelay $0x1  }
0x187: {  	v17 =	vadd.f32 v18, v17;
	_ =	sdelay $0x1  }
0x188: {  	[tilespmem:$0xC508] =	vst v17  }
0x189: {  	v17 =	vld [tilespmem:s31+$0x90]  }
0x18a: {  	v18 =	vld [tilespmem:s31+$0x6090]  }
0x18b: {  	v19 =	vld [tilespmem:s31+$0x60A0]  }
0x18c: {  	v20 =	vld [tilespmem:s31+$0xA0]  }
0x18d: {  	v21 =	vld [tilespmem:s31+$0xB0]  }
0x18e: {  	v22 =	vld [tilespmem:s31+$0x60B0]  }
0x18f: {  	v17 =	vmul.f32 v18, v17;
	v18 =	vld [tilespmem:s31+$0xC0]  }
0x190: {  	v23 =	vld [tilespmem:s31+$0x60C0]  }
0x191: {  	v17 =	vadd.f32 $0.0e+00, v17;
	v19 =	vmul.f32 v19, v20;
	_ =	sdelay $0x1  }
0x192: {  	v17 =	vadd.f32 v19, v17;
	v19 =	vmul.f32 v22, v21;
	_ =	sdelay $0x1  }
0x193: {  	v17 =	vadd.f32 v19, v17;
	v18 =	vmul.f32 v23, v18;
	_ =	sdelay $0x1  }
0x194: {  	v17 =	vadd.f32 v18, v17;
	_ =	sdelay $0x1  }
0x195: {  	[tilespmem:$0xC520] =	vst v17  }
0x196: {  	v17 =	vld [tilespmem:s31+$0xD0]  }
0x197: {  	v18 =	vld [tilespmem:s31+$0x60D0]  }
0x198: {  	v19 =	vld [tilespmem:s31+$0x60E0]  }
0x199: {  	v20 =	vld [tilespmem:s31+$0xE0]  }
0x19a: {  	v21 =	vld [tilespmem:s31+$0xF0]  }
0x19b: {  	v22 =	vld [tilespmem:s31+$0x60F0]  }
0x19c: {  	v17 =	vmul.f32 v18, v17;
	v18 =	vld [tilespmem:s31+$0x100]  }
0x19d: {  	v23 =	vld [tilespmem:s31+$0x6100]  }
0x19e: {  	v17 =	vadd.f32 $0.0e+00, v17;
	v19 =	vmul.f32 v19, v20;
	_ =	sdelay $0x1  }
0x19f: {  	v17 =	vadd.f32 v19, v17;
	v19 =	vmul.f32 v22, v21;
	_ =	sdelay $0x1  }
0x1a0: {  	v17 =	vadd.f32 v19, v17;
	v18 =	vmul.f32 v23, v18;
	_ =	sdelay $0x1  }
0x1a1: {  	v17 =	vadd.f32 v18, v17;
	_ =	sdelay $0x1  }
0x1a2: {  	[tilespmem:$0xC538] =	vst v17  }
0x1a3: {  	v17 =	vld [tilespmem:s31+$0x6110]  }
0x1a4: {  	v18 =	vld [tilespmem:s31+$0x110]  }
0x1a5: {  	v19 =	vld [tilespmem:s31+$0x6120]  }
0x1a6: {  	v20 =	vld [tilespmem:s31+$0x120]  }
0x1a7: {  	v21 =	vld [tilespmem:s31+$0x130]  }
0x1a8: {  	v22 =	vld [tilespmem:s31+$0x6130]  }
0x1a9: {  	v17 =	vmul.f32 v17, v18;
	v18 =	vld [tilespmem:s31+$0x140]  }
0x1aa: {  	v23 =	vld [tilespmem:s31+$0x6140]  }
0x1ab: {  	v17 =	vadd.f32 $0.0e+00, v17;
	v19 =	vmul.f32 v19, v20;
	_ =	sdelay $0x1  }
0x1ac: {  	v17 =	vadd.f32 v19, v17;
	v19 =	vmul.f32 v22, v21;
	_ =	sdelay $0x1  }
0x1ad: {  	v17 =	vadd.f32 v19, v17;
	v18 =	vmul.f32 v23, v18;
	_ =	sdelay $0x1  }
0x1ae: {  	v17 =	vadd.f32 v18, v17;
	_ =	sdelay $0x1  }
0x1af: {  	[tilespmem:$0xC550] =	vst v17  }
0x1b0: {  	v17 =	vld [tilespmem:s31+$0x160]  }
0x1b1: {  	v18 =	vld [tilespmem:s31+$0x150]  }
0x1b2: {  	v19 =	vld [tilespmem:s31+$0x6150]  }
0x1b3: {  	v20 =	vld [tilespmem:s31+$0x6160]  }
0x1b4: {  	v21 =	vld [tilespmem:s31+$0x170]  }
0x1b5: {  	v22 =	vld [tilespmem:s31+$0x6170];
	_ =	sdelay $0x1  }
0x1b6: {  	v18 =	vmul.f32 v19, v18;
	v19 =	vld [tilespmem:s31+$0x6180]  }
0x1b7: {  	v17 =	vmul.f32 v20, v17;
	v20 =	vld [tilespmem:s31+$0x180]  }
0x1b8: {  	v18 =	vadd.f32 $0.0e+00, v18  }
0x1b9: {  	v21 =	vmul.f32 v22, v21  }
0x1ba: {  	v17 =	vadd.f32 v17, v18;
	_ =	sdelay $0x1  }
0x1bb: {  	v17 =	vadd.f32 v21, v17;
	v18 =	vmul.f32 v19, v20;
	_ =	sdelay $0x1  }
0x1bc: {  	v17 =	vadd.f32 v18, v17;
	_ =	sdelay $0x1  }
0x1bd: {  	[tilespmem:$0xC568] =	vst v17  }
0x1be: {  	v17 =	vld [tilespmem:s31+$0x190]  }
0x1bf: {  	v18 =	vld [tilespmem:s31+$0x6190]  }
0x1c0: {  	v19 =	vld [tilespmem:s31+$0x1A0]  }
0x1c1: {  	v20 =	vld [tilespmem:s31+$0x61A0]  }
0x1c2: {  	v21 =	vld [tilespmem:s31+$0x61B0]  }
0x1c3: {  	v22 =	vld [tilespmem:s31+$0x1B0]  }
0x1c4: {  	v17 =	vmul.f32 v18, v17;
	v18 =	vld [tilespmem:s31+$0x61C0]  }
0x1c5: {  	v23 =	vld [tilespmem:s31+$0x1C0]  }
0x1c6: {  	v17 =	vadd.f32 $0.0e+00, v17;
	v19 =	vmul.f32 v20, v19;
	_ =	sdelay $0x1  }
0x1c7: {  	v17 =	vadd.f32 v19, v17;
	v19 =	vmul.f32 v21, v22;
	_ =	sdelay $0x1  }
0x1c8: {  	v17 =	vadd.f32 v19, v17;
	v18 =	vmul.f32 v18, v23;
	_ =	sdelay $0x1  }
0x1c9: {  	v17 =	vadd.f32 v18, v17;
	_ =	sdelay $0x1  }
0x1ca: {  	[tilespmem:$0xC580] =	vst v17  }
0x1cb: {  	v17 =	vld [tilespmem:s31+$0x1D0]  }
0x1cc: {  	v18 =	vld [tilespmem:s31+$0x61D0]  }
0x1cd: {  	v19 =	vld [tilespmem:s31+$0x1E0]  }
0x1ce: {  	v20 =	vld [tilespmem:s31+$0x61E0]  }
0x1cf: {  	v21 =	vld [tilespmem:s31+$0x1F0]  }
0x1d0: {  	v22 =	vld [tilespmem:s31+$0x61F0]  }
0x1d1: {  	v17 =	vmul.f32 v18, v17;
	v18 =	vld [tilespmem:s31+$0x200]  }
0x1d2: {  	v23 =	vld [tilespmem:s31+$0x6200]  }
0x1d3: {  	v17 =	vadd.f32 $0.0e+00, v17;
	v19 =	vmul.f32 v20, v19;
	_ =	sdelay $0x1  }
0x1d4: {  	v17 =	vadd.f32 v19, v17;
	v19 =	vmul.f32 v22, v21;
	_ =	sdelay $0x1  }
0x1d5: {  	v17 =	vadd.f32 v19, v17;
	v18 =	vmul.f32 v23, v18;
	_ =	sdelay $0x1  }
0x1d6: {  	v17 =	vadd.f32 v18, v17;
	_ =	sdelay $0x1  }
0x1d7: {  	[tilespmem:$0xC598] =	vst v17  }
0x1d8: {  	v17 =	vld [tilespmem:s31+$0x210]  }
0x1d9: {  	v18 =	vld [tilespmem:s31+$0x6210]  }
0x1da: {  	v19 =	vld [tilespmem:s31+$0x220]  }
0x1db: {  	v20 =	vld [tilespmem:s31+$0x6220]  }
0x1dc: {  	v21 =	vld [tilespmem:s31+$0x230]  }
0x1dd: {  	v22 =	vld [tilespmem:s31+$0x6230]  }
0x1de: {  	v17 =	vmul.f32 v18, v17;
	v18 =	vld [tilespmem:s31+$0x240]  }
0x1df: {  	v23 =	vld [tilespmem:s31+$0x6240]  }
0x1e0: {  	v17 =	vadd.f32 $0.0e+00, v17;
	v19 =	vmul.f32 v20, v19;
	_ =	sdelay $0x1  }
0x1e1: {  	v17 =	vadd.f32 v19, v17;
	v19 =	vmul.f32 v22, v21;
	_ =	sdelay $0x1  }
0x1e2: {  	v17 =	vadd.f32 v19, v17;
	v18 =	vmul.f32 v23, v18;
	_ =	sdelay $0x1  }
0x1e3: {  	v17 =	vadd.f32 v18, v17;
	_ =	sdelay $0x1  }
0x1e4: {  	[tilespmem:$0xC5B0] =	vst v17  }
0x1e5: {  	v17 =	vld [tilespmem:s31+$0x250]  }
0x1e6: {  	v18 =	vld [tilespmem:s31+$0x6250]  }
0x1e7: {  	v19 =	vld [tilespmem:s31+$0x260]  }
0x1e8: {  	v20 =	vld [tilespmem:s31+$0x6260]  }
0x1e9: {  	v21 =	vld [tilespmem:s31+$0x270]  }
0x1ea: {  	v22 =	vld [tilespmem:s31+$0x6270]  }
0x1eb: {  	v17 =	vmul.f32 v18, v17;
	v18 =	vld [tilespmem:s31+$0x280]  }
0x1ec: {  	v23 =	vld [tilespmem:s31+$0x6280]  }
0x1ed: {  	v17 =	vadd.f32 $0.0e+00, v17;
	v19 =	vmul.f32 v20, v19;
	_ =	sdelay $0x1  }
0x1ee: {  	v17 =	vadd.f32 v19, v17;
	v19 =	vmul.f32 v22, v21;
	_ =	sdelay $0x1  }
0x1ef: {  	v17 =	vadd.f32 v19, v17;
	v18 =	vmul.f32 v23, v18;
	_ =	sdelay $0x1  }
0x1f0: {  	v17 =	vadd.f32 v18, v17;
	_ =	sdelay $0x1  }
0x1f1: {  	[tilespmem:$0xC5C8] =	vst v17  }
0x1f2: {  	v17 =	vld [tilespmem:s31+$0x290]  }
0x1f3: {  	v18 =	vld [tilespmem:s31+$0x6290]  }
0x1f4: {  	v19 =	vld [tilespmem:s31+$0x2A0]  }
0x1f5: {  	v20 =	vld [tilespmem:s31+$0x62A0]  }
0x1f6: {  	v21 =	vld [tilespmem:s31+$0x2B0]  }
0x1f7: {  	v22 =	vld [tilespmem:s31+$0x62B0]  }
0x1f8: {  	v17 =	vmul.f32 v18, v17;
	v18 =	vld [tilespmem:s31+$0x2C0]  }
0x1f9: {  	v23 =	vld [tilespmem:s31+$0x62C0]  }
0x1fa: {  	v17 =	vadd.f32 $0.0e+00, v17;
	v19 =	vmul.f32 v20, v19;
	_ =	sdelay $0x1  }
0x1fb: {  	v17 =	vadd.f32 v19, v17;
	v19 =	vmul.f32 v22, v21;
	_ =	sdelay $0x1  }
0x1fc: {  	v17 =	vadd.f32 v19, v17;
	v18 =	vmul.f32 v23, v18;
	_ =	sdelay $0x1  }
0x1fd: {  	v17 =	vadd.f32 v18, v17;
	_ =	sdelay $0x1  }
0x1fe: {  	[tilespmem:$0xC5E0] =	vst v17  }
0x1ff: {  	v17 =	vld [tilespmem:s31+$0x2D0]  }
0x200: {  	v18 =	vld [tilespmem:s31+$0x62D0]  }
0x201: {  	v19 =	vld [tilespmem:s31+$0x62E0]  }
0x202: {  	v20 =	vld [tilespmem:s31+$0x2E0]  }
0x203: {  	v21 =	vld [tilespmem:s31+$0x2F0]  }
0x204: {  	v22 =	vld [tilespmem:s31+$0x62F0]  }
0x205: {  	v17 =	vmul.f32 v18, v17;
	v18 =	vld [tilespmem:s31+$0x300]  }
0x206: {  	v23 =	vld [tilespmem:s31+$0x6300]  }
0x207: {  	v17 =	vadd.f32 $0.0e+00, v17;
	v19 =	vmul.f32 v19, v20;
	_ =	sdelay $0x1  }
0x208: {  	v17 =	vadd.f32 v19, v17;
	v19 =	vmul.f32 v22, v21;
	_ =	sdelay $0x1  }
0x209: {  	v17 =	vadd.f32 v19, v17;
	v18 =	vmul.f32 v23, v18;
	_ =	sdelay $0x1  }
0x20a: {  	v17 =	vadd.f32 v18, v17;
	_ =	sdelay $0x1  }
0x20b: {  	[tilespmem:$0xC5F8] =	vst v17  }
0x20c: {  	v17 =	vld [tilespmem:s31+$0x310]  }
0x20d: {  	v18 =	vld [tilespmem:s31+$0x6310]  }
0x20e: {  	v19 =	vld [tilespmem:s31+$0x320]  }
0x20f: {  	v20 =	vld [tilespmem:s31+$0x6320]  }
0x210: {  	v21 =	vld [tilespmem:s31+$0x330]  }
0x211: {  	v22 =	vld [tilespmem:s31+$0x6330]  }
0x212: {  	v17 =	vmul.f32 v18, v17;
	v18 =	vld [tilespmem:s31+$0x340]  }
0x213: {  	v23 =	vld [tilespmem:s31+$0x6340]  }
0x214: {  	v17 =	vadd.f32 $0.0e+00, v17;
	v19 =	vmul.f32 v20, v19;
	_ =	sdelay $0x1  }
0x215: {  	v17 =	vadd.f32 v19, v17;
	v19 =	vmul.f32 v22, v21;
	_ =	sdelay $0x1  }
0x216: {  	v17 =	vadd.f32 v19, v17;
	v18 =	vmul.f32 v23, v18;
	_ =	sdelay $0x1  }
0x217: {  	v17 =	vadd.f32 v18, v17;
	_ =	sdelay $0x1  }
0x218: {  	[tilespmem:$0xC610] =	vst v17  }
0x219: {  	v17 =	vld [tilespmem:s31+$0x350]  }
0x21a: {  	v18 =	vld [tilespmem:s31+$0x6350]  }
0x21b: {  	v19 =	vld [tilespmem:s31+$0x360]  }
0x21c: {  	v20 =	vld [tilespmem:s31+$0x6360]  }
0x21d: {  	v21 =	vld [tilespmem:s31+$0x370]  }
0x21e: {  	v22 =	vld [tilespmem:s31+$0x6370]  }
0x21f: {  	v17 =	vmul.f32 v18, v17;
	v18 =	vld [tilespmem:s31+$0x380]  }
0x220: {  	v23 =	vld [tilespmem:s31+$0x6380]  }
0x221: {  	v17 =	vadd.f32 $0.0e+00, v17;
	v19 =	vmul.f32 v20, v19;
	_ =	sdelay $0x1  }
0x222: {  	v17 =	vadd.f32 v19, v17;
	v19 =	vmul.f32 v22, v21;
	_ =	sdelay $0x1  }
0x223: {  	v17 =	vadd.f32 v19, v17;
	v18 =	vmul.f32 v23, v18;
	_ =	sdelay $0x1  }
0x224: {  	v17 =	vadd.f32 v18, v17;
	_ =	sdelay $0x1  }
0x225: {  	[tilespmem:$0xC628] =	vst v17  }
0x226: {  	v17 =	vld.idx.msk [tilespmem:v1+s24+$0x0], $0xffff  }
0x227: {  	v18 =	vld.idx.msk [tilespmem:v2+s24+$0x0], $0xffff  }
0x228: {  	v19 =	vld.idx.msk [tilespmem:v3+s24+$0x0], $0xffff  }
0x229: {  	v20 =	vld.idx.msk [tilespmem:v4+s24+$0x0], $0xffff  }
0x22a: {  	v25 =	vld.idx.msk [tilespmem:v5+s24+$0x0], $0xffff  }
0x22b: {  	v27 =	vld.idx.msk [tilespmem:v6+s24+$0x0], $0xffff  }
0x22c: {  	v22 =	vadd.f32 $0.0e+00, v17;
	v21 =	vld.idx.msk [tilespmem:v7+s24+$0x0], $0xffff  }
0x22d: {  	v17 =	vld.idx.msk [tilespmem:v8+s24+$0x0], $0xffff  }
0x22e: {  	v23 =	vadd.f32 v18, v22;
	v22 =	vld.idx.msk [tilespmem:v9+s24+$0x0], $0xffff  }
0x22f: {  	v18 =	vld.idx.msk [tilespmem:v10+s24+$0x0], $0xffff  }
0x230: {  	v24 =	vadd.f32 v19, v23;
	v23 =	vld.idx.msk [tilespmem:v11+s24+$0x0], $0xffff  }
0x231: {  	v19 =	vld.idx.msk [tilespmem:v12+s24+$0x0], $0xffff  }
.Ltmp1:
0x232: {  	v26 =	vadd.f32 v20, v24;
	v24 =	vld.idx.msk [tilespmem:v13+s24+$0x0], $0xffff;
	(pc) =	sbr.rel @p1 .LBB2_4-.Ltmp1, $4  }
0x233: {  	v20 =	vld.idx.msk [tilespmem:v14+s24+$0x0], $0xffff  }
0x234: {  	v28 =	vadd.f32 v25, v26;
	v25 =	vld.idx.msk [tilespmem:v15+s24+$0x0], $0xffff  }
0x235: {  	v26 =	vld.idx.msk [tilespmem:v16+s24+$0x0], $0xffff  }
0x236: {  	v27 =	vadd.f32 v27, v28  }
0x237: {  	_ = 	snop  }
0x238: {  	v21 =	vadd.f32 v21, v27;
	_ =	sdelay $0x1  }
0x239: {  	v17 =	vadd.f32 v17, v21;
	_ =	sdelay $0x1  }
0x23a: {  	v17 =	vadd.f32 v22, v17;
	_ =	sdelay $0x1  }
0x23b: {  	v17 =	vadd.f32 v18, v17;
	_ =	sdelay $0x1  }
0x23c: {  	v17 =	vadd.f32 v23, v17;
	_ =	sdelay $0x1  }
0x23d: {  	v17 =	vadd.f32 v19, v17;
	_ =	sdelay $0x1  }
0x23e: {  	v17 =	vadd.f32 v24, v17;
	_ =	sdelay $0x1  }
0x23f: {  	v17 =	vadd.f32 v20, v17;
	_ =	sdelay $0x1  }
0x240: {  	v17 =	vadd.f32 v25, v17;
	_ =	sdelay $0x1  }
0x241: {  	v17 =	vadd.f32 v26, v17  }
0x242: {  	s26 =	sadd.s32 $0x1, s26  }
0x243: {  	p1 =	sne.s32 s26, s6;
	[tilespmem:s28+$0x0] =	vst v17  }
.Ltmp2:
0x244: {  	_ =	strace $0x9000004A;
	(pc) =	sbr.rel @p1 .LBB2_1-.Ltmp2, $4  }
0x245: {  	[hbm4b:s5+s2] =	stream.linear.scatter [tilespmem:s25], [sflag:$0x3], $0x140, $0x38;
	[tilespmem:$0xEEE0] =	vst v63  }
0x246: {  	_ =	swait.ge [sflag:s9], $0x140  }
0x247: {  	[sflag:s9] =	ssyncset.done $0x0  }
0x248: {  	[sflag:s9] =	ssyncadd.s32 $0xFFFFFEC0  }
0x249: {  	_ =	sfence.sel $0x180000  }
0x24a: {  	[bflag:$0x0] =	sbarrier.arrive $0xFFFF  }
0x24b: {  	_ =	strace $0x90000047  }
0x24c: {  	[bflag:$0x2] =	sbarrier.arrive $0xFFFF  }
0x24d: {  	s0 =	rddreg [dreg:$0x3]  }
0x24e: {  	s0 =	sadd.s32 @!p0 $0x100000, s0  }
0x24f: {  	[sflag:s0] =	ssyncadd.tile.s32 @!p0 $0x1;
	_ =	shalt  }
.Lfunc_end2:
_tile_overlayer_lowered:
.L_overlay_start_2:
0x250: {  	(tag) =	ssettag $0x2  }
0x251: {  	s0 =	rddreg [dreg:$0x0];
	s2 =	stileid.u32  }
0x252: {  	s1 =	rddreg [dreg:$0x1];
	p0 =	sne.s32 s2, $0x0  }
0x253: {  	s3 =	rddreg [dreg:$0x2];
	[bflag:$0x3] =	sbarrier.arrive $0xFFFF;
	s2 =	simm.s32 @!p0 $0x1C03  }
0x254: {  	[timem:s3], [sflag:s2] =	dma.local @!p0 [hbm:s0], s1  }
0x255: {  	s0 =	simm.s32 @!p0 $0x3  }
0x256: {  	_ =	swait.ge @!p0 [sflag:s0], s1  }
0x257: {  	s1 =	ssub.s32 @!p0 $0x0, s1;
	[sflag:s0] =	ssyncset.done @!p0 $0x0  }
0x258: {  	[sflag:s0] =	ssyncadd.s32 @!p0 s1  }
0x259: {  	[bflag:$0x3] =	sbarrier.arrive $0xFFFF  }
0x25a: {  	_ =	shalt  }

</sc_bundles>
